<compile_context>
chip_gen: v7x
topology: tpu7x:2x2x1
jax: 0.10.2.dev20260603
libtpu: 0.0.44.dev20260713+nightly
codegen_flags: <defaults>
</compile_context>

<pallas_src>
import functools

import jax
import jax.numpy as jnp
from jax import lax
from jax.experimental import pallas as pl
from jax.experimental.pallas import tpu as pltpu
from jax.experimental.pallas import tpu_sc as plsc

_E = 64
_H = 2048
_LANES = 16


def _logits_body(spw, hs_ref, w_ref, out_ref):
    for s in range(out_ref.shape[0]):
        out_ref[s] = lax.dot_general(
            w_ref[...], hs_ref[pl.ds(s * spw, spw), :],
            dimension_numbers=(((1,), (1,)), ((), ())),
            preferred_element_type=jnp.float32,
        )


def _make_logits_t(hs2d, weight, bt, spw):
    t = hs2d.shape[0]
    return pl.pallas_call(
        functools.partial(_logits_body, spw),
        grid=(t // bt,),
        in_specs=[
            pl.BlockSpec((bt, _H), lambda i: (i, 0)),
            pl.BlockSpec((_E, _H), lambda i: (0, 0)),
        ],
        out_specs=pl.BlockSpec((bt // spw, _E, spw), lambda i: (i, 0, 0)),
        out_shape=jax.ShapeDtypeStruct((t // spw, _E, spw), jnp.float32),
    )(hs2d, weight)


def _route_body(tpw, lg_hbm, idx_hbm, w_hbm, lbuf, ibuf, wbuf):
    nc = 2
    wid = lax.axis_index("s") * nc + lax.axis_index("c")
    base = wid * tpw
    pltpu.sync_copy(lg_hbm.at[wid], lbuf)

    nchain = 4
    cl = _E // nchain

    def merge(a1, ai1, a2, ai2, b1, bi1, b2, bi2):
        sel = a1 >= b1
        m1 = jnp.where(sel, a1, b1)
        i1 = jnp.where(sel, ai1, bi1)
        u = jnp.where(sel, a2, a1)
        ui = jnp.where(sel, ai2, ai1)
        w = jnp.where(sel, b1, b2)
        wi = jnp.where(sel, bi1, bi2)
        s2 = u >= w
        m2 = jnp.where(s2, u, w)
        i2 = jnp.where(s2, ui, wi)
        return m1, i1, m2, i2

    def chunk(ci, carry):
        off = ci * _LANES
        neg = jnp.full((_LANES,), -3.0e38, jnp.float32)
        zero = jnp.zeros((_LANES,), jnp.int32)
        sl = pl.ds(off, _LANES)
        st = [[neg, zero, neg, zero] for _ in range(nchain)]
        for j in range(cl):
            ev = zero + j
            vs = [lbuf[c * cl + j, sl] for c in range(nchain)]
            for c in range(nchain):
                m1, i1, m2, i2 = st[c]
                v = vs[c]
                gt1 = v > m1
                gt2 = v > m2
                i2 = jnp.where(gt1, i1, jnp.where(gt2, ev, i2))
                m2 = jnp.minimum(jnp.maximum(v, m2), m1)
                i1 = jnp.where(gt1, ev, i1)
                m1 = jnp.maximum(v, m1)
                st[c] = [m1, i1, m2, i2]
        for c in range(nchain):
            st[c][1] = st[c][1] + (c * cl)
            st[c][3] = st[c][3] + (c * cl)
        ab = merge(*st[0], *st[1])
        cd = merge(*st[2], *st[3])
        m1, i1, m2, i2 = merge(*ab, *cd)
        e2 = jnp.exp(m2 - m1)
        denom = 1.0 + e2
        sl = pl.ds(off, _LANES)
        ibuf[0, sl] = i1
        ibuf[1, sl] = i2
        wbuf[0, sl] = 1.0 / denom
        wbuf[1, sl] = e2 / denom
        return carry

    lax.fori_loop(0, tpw // _LANES, chunk, 0)
    pltpu.sync_copy(ibuf, idx_hbm.at[:, pl.ds(base, tpw)])
    pltpu.sync_copy(wbuf, w_hbm.at[:, pl.ds(base, tpw)])


def _make_route(logits_t):
    nw, _, tpw = logits_t.shape
    t = nw * tpw
    mesh = plsc.VectorSubcoreMesh(core_axis_name="c", subcore_axis_name="s")
    return pl.kernel(
        functools.partial(_route_body, tpw),
        out_type=[
            jax.ShapeDtypeStruct((2, t), jnp.int32),
            jax.ShapeDtypeStruct((2, t), jnp.float32),
        ],
        mesh=mesh,
        scratch_types=[
            pltpu.VMEM((_E, tpw), jnp.float32),
            pltpu.VMEM((2, tpw), jnp.int32),
            pltpu.VMEM((2, tpw), jnp.float32),
        ],
    )(logits_t)


def kernel(hidden_states, weight):
    bsz, seq_len, d = hidden_states.shape
    t = bsz * seq_len
    hs2d = hidden_states.reshape(t, d)
    logits_t = _make_logits_t(hs2d, weight, bt=2048, spw=t // 32)
    idx_t, w_t = _make_route(logits_t)
    topk_idx = idx_t.T
    topk_weight = w_t.T
    row_idx = jnp.arange(t * 2, dtype=jnp.int32).reshape(2, t).T
    return (topk_idx, topk_weight, None, row_idx)

# --- scband reference (transcript-rebuilt; emitter-appended) ---
"""Pipeline reference for scband-mo-egate-10187662426952 (READ-ONLY COPY).

The authoritative reference and input builder live on the scoring server;
editing this copy changes nothing except your own understanding.
"""

import jax, jax.numpy as jnp
import numpy as np

NUM_EXPERTS = 64
TOP_K = 2
HIDDEN = 2048
NORM_TOPK_PROB = True


def setup_inputs(seed: int = 0) -> dict:
    key = jax.random.key(seed)
    k1, k2 = jax.random.split(key)
    hidden_states = jax.random.normal(k1, (4, 4096, HIDDEN), dtype=jnp.float32)
    # gate weight, shape (num_experts, gating_dim), kaiming-ish init
    weight = jax.random.normal(k2, (NUM_EXPERTS, HIDDEN), dtype=jnp.float32) * (1.0 / np.sqrt(HIDDEN))
    return {"hidden_states": hidden_states, "weight": weight}


def reference(hidden_states, weight):
    bsz, seq_len, d = hidden_states.shape
    hs = hidden_states.reshape(-1, d)
    # F.linear(hs, weight) == hs @ weight.T
    logits = hs @ weight.T
    # npu_moe_gating_top_k_softmax: softmax over experts, then top-k of probs
    scores = jax.nn.softmax(logits.astype(jnp.float32), axis=-1)
    topk_weight, topk_idx = jax.lax.top_k(scores, TOP_K)
    n_tokens = hs.shape[0]
    # row_idx per NPU op semantics: expanded-row index, column-major layout
    row_idx = jnp.arange(n_tokens * TOP_K, dtype=jnp.int32).reshape(TOP_K, n_tokens).T
    if TOP_K > 1 and NORM_TOPK_PROB:
        denominator = jnp.sum(topk_weight, axis=-1, keepdims=True) + 1e-20
        topk_weight = topk_weight / denominator
    aux_loss = None
    return (topk_idx, topk_weight, aux_loss, row_idx)

if __name__ == "__main__":
    import jax
    _d = setup_inputs()
    print(jax.jit(kernel)(*tuple(_d.values())))

</pallas_src>

<mosaic_0001>
#map = affine_map<(d0, d1) -> (0, 0, 0)>
#map1 = affine_map<(d0, d1) -> (0, 0)>
module attributes {stable_mosaic.version = 14 : i64} {
  func.func @_route_body(%arg0: i32, %arg1: i32, %arg2: memref<32x64x512xf32, #tpu.memory_space<hbm>>, %arg3: memref<2x16384xi32, #tpu.memory_space<hbm>>, %arg4: memref<2x16384xf32, #tpu.memory_space<hbm>>, %arg5: memref<64x512xf32, #tpu.memory_space<vmem>>, %arg6: memref<2x512xi32, #tpu.memory_space<vmem>>, %arg7: memref<2x512xf32, #tpu.memory_space<vmem>>) attributes {dimension_semantics = [#tpu.dimension_semantics<core_parallel>, #tpu.dimension_semantics<subcore_parallel>], iteration_bounds = array<i64: 2, 16>, scalar_prefetch = 0 : i64, scratch_operands = 3 : i64, tpu.core_type = #tpu.core_type<sc_vector_subcore>, window_params = [{transform_indices = #map}, {transform_indices = #map1}, {transform_indices = #map1}]} {
    %mul3A = arith.constant 2 : i32
    %mul3A_0 = arith.muli %arg1, %mul3A : i32
    %add3A = arith.addi %mul3A_0, %arg0 : i32
    %mul3A_1 = arith.constant 512 : i32
    %mul3A_2 = arith.muli %add3A, %mul3A_1 : i32
    "tpu.region"() ({
      %run_scoped3A = tpu.sem_alloc : memref<!tpu.dma_semaphore, #tpu.memory_space<semaphore_mem>>
      %dma_start3A = arith.constant 0 : i32
      %dma_start3A_8 = arith.constant 0 : i32
      %dma_start3A_9 = tpu.memref_slice %arg2[%add3A, %dma_start3A, %dma_start3A_8] : memref<32x64x512xf32, #tpu.memory_space<hbm>> -> memref<1x64x512xf32, #tpu.memory_space<hbm>>
      %dma_start3A_10 = tpu.memref_squeeze %dma_start3A_9 : memref<1x64x512xf32, #tpu.memory_space<hbm>> -> memref<64x512xf32, #tpu.memory_space<hbm>>
      %dma_start3A_11 = arith.constant 0 : i32
      %dma_start3A_12 = arith.constant 0 : i32
      %dma_start3A_13 = tpu.memref_slice %arg2[%add3A, %dma_start3A_11, %dma_start3A_12] : memref<32x64x512xf32, #tpu.memory_space<hbm>> -> memref<1x64x512xf32, #tpu.memory_space<hbm>>
      %dma_start3A_14 = tpu.memref_squeeze %dma_start3A_13 : memref<1x64x512xf32, #tpu.memory_space<hbm>> -> memref<64x512xf32, #tpu.memory_space<hbm>>
      tpu.enqueue_dma source(%dma_start3A_14 : memref<64x512xf32, #tpu.memory_space<hbm>>) target(%arg5 : memref<64x512xf32, #tpu.memory_space<vmem>>) target_semaphore(%run_scoped3A : memref<!tpu.dma_semaphore, #tpu.memory_space<semaphore_mem>>)
      %dma_wait3A = arith.constant 0 : i32
      %dma_wait3A_15 = arith.constant 0 : i32
      %dma_wait3A_16 = tpu.memref_slice %arg2[%add3A, %dma_wait3A, %dma_wait3A_15] : memref<32x64x512xf32, #tpu.memory_space<hbm>> -> memref<1x64x512xf32, #tpu.memory_space<hbm>>
      %dma_wait3A_17 = tpu.memref_squeeze %dma_wait3A_16 : memref<1x64x512xf32, #tpu.memory_space<hbm>> -> memref<64x512xf32, #tpu.memory_space<hbm>>
      %dma_wait3A_18 = arith.constant 0 : i32
      %dma_wait3A_19 = arith.constant 0 : i32
      %dma_wait3A_20 = tpu.memref_slice %arg2[%add3A, %dma_wait3A_18, %dma_wait3A_19] : memref<32x64x512xf32, #tpu.memory_space<hbm>> -> memref<1x64x512xf32, #tpu.memory_space<hbm>>
      %dma_wait3A_21 = tpu.memref_squeeze %dma_wait3A_20 : memref<1x64x512xf32, #tpu.memory_space<hbm>> -> memref<64x512xf32, #tpu.memory_space<hbm>>
      tpu.wait_dma2 semaphore(%run_scoped3A : memref<!tpu.dma_semaphore, #tpu.memory_space<semaphore_mem>>) src(%dma_wait3A_21 : memref<64x512xf32, #tpu.memory_space<hbm>>) dst(%arg5 : memref<64x512xf32, #tpu.memory_space<vmem>>)
      tpu.yield
    }) : () -> ()
    %scan3A = arith.constant 0 : i32
    %scan3A_3 = arith.constant 0 : i32
    %scan3A_4 = arith.constant 32 : i32
    %scan3A_5 = arith.addi %scan3A_3, %scan3A_4 : i32
    %scan3A_6 = arith.constant 1 : i32
    scf.for %scan3A_8 = %scan3A_3 to %scan3A_5 step %scan3A_6  : i32 {
      %mul3A_9 = arith.constant 16 : i32
      %mul3A_10 = arith.muli %scan3A_8, %mul3A_9 : i32
      %broadcast_in_dim3A = arith.constant -3.000000e+38 : f32
      %broadcast_in_dim3A_11 = vector.broadcast %broadcast_in_dim3A : f32 to vector<16xf32>
      %broadcast_in_dim3A_12 = arith.constant 0 : i32
      %broadcast_in_dim3A_13 = vector.broadcast %broadcast_in_dim3A_12 : i32 to vector<16xi32>
      %add3A_14 = arith.constant 0 : i32
      %add3A_15 = vector.broadcast %add3A_14 : i32 to vector<16xi32>
      %add3A_16 = arith.addi %broadcast_in_dim3A_13, %add3A_15 : vector<16xi32>
      %get3A = arith.constant 0 : i32
      %get3A_17 = arith.index_cast %get3A : i32 to index
      %get3A_18 = arith.index_cast %mul3A_10 : i32 to index
      %get3A_19 = tpu.vector_load %arg5[%get3A_17, %get3A_18] {strides = array<i32>} : memref<64x512xf32, #tpu.memory_space<vmem>>, vector<1x16xf32>,
      %get3A_20 = vector.shape_cast %get3A_19 : vector<1x16xf32> to vector<16xf32>
      %get3A_21 = arith.constant 16 : i32
      %get3A_22 = arith.index_cast %get3A_21 : i32 to index
      %get3A_23 = arith.index_cast %mul3A_10 : i32 to index
      %get3A_24 = tpu.vector_load %arg5[%get3A_22, %get3A_23] {strides = array<i32>} : memref<64x512xf32, #tpu.memory_space<vmem>>, vector<1x16xf32>,
      %get3A_25 = vector.shape_cast %get3A_24 : vector<1x16xf32> to vector<16xf32>
      %get3A_26 = arith.constant 32 : i32
      %get3A_27 = arith.index_cast %get3A_26 : i32 to index
      %get3A_28 = arith.index_cast %mul3A_10 : i32 to index
      %get3A_29 = tpu.vector_load %arg5[%get3A_27, %get3A_28] {strides = array<i32>} : memref<64x512xf32, #tpu.memory_space<vmem>>, vector<1x16xf32>,
      %get3A_30 = vector.shape_cast %get3A_29 : vector<1x16xf32> to vector<16xf32>
      %get3A_31 = arith.constant 48 : i32
      %get3A_32 = arith.index_cast %get3A_31 : i32 to index
      %get3A_33 = arith.index_cast %mul3A_10 : i32 to index
      %get3A_34 = tpu.vector_load %arg5[%get3A_32, %get3A_33] {strides = array<i32>} : memref<64x512xf32, #tpu.memory_space<vmem>>, vector<1x16xf32>,
      %get3A_35 = vector.shape_cast %get3A_34 : vector<1x16xf32> to vector<16xf32>
      %gt3A = arith.cmpf ogt, %get3A_20, %broadcast_in_dim3A_11 : vector<16xf32>
      %gt3A_36 = arith.cmpf ogt, %get3A_20, %broadcast_in_dim3A_11 : vector<16xf32>
      %select_n3A = arith.select %gt3A_36, %add3A_16, %broadcast_in_dim3A_13 : vector<16xi1>, vector<16xi32>
      %select_n3A_37 = arith.select %gt3A, %broadcast_in_dim3A_13, %select_n3A : vector<16xi1>, vector<16xi32>
      %max3A = arith.maximumf %get3A_20, %broadcast_in_dim3A_11 : vector<16xf32>
      %min3A = arith.minimumf %max3A, %broadcast_in_dim3A_11 : vector<16xf32>
      %select_n3A_38 = arith.select %gt3A, %add3A_16, %broadcast_in_dim3A_13 : vector<16xi1>, vector<16xi32>
      %max3A_39 = arith.maximumf %get3A_20, %broadcast_in_dim3A_11 : vector<16xf32>
      %gt3A_40 = arith.cmpf ogt, %get3A_25, %broadcast_in_dim3A_11 : vector<16xf32>
      %gt3A_41 = arith.cmpf ogt, %get3A_25, %broadcast_in_dim3A_11 : vector<16xf32>
      %select_n3A_42 = arith.select %gt3A_41, %add3A_16, %broadcast_in_dim3A_13 : vector<16xi1>, vector<16xi32>
      %select_n3A_43 = arith.select %gt3A_40, %broadcast_in_dim3A_13, %select_n3A_42 : vector<16xi1>, vector<16xi32>
      %max3A_44 = arith.maximumf %get3A_25, %broadcast_in_dim3A_11 : vector<16xf32>
      %min3A_45 = arith.minimumf %max3A_44, %broadcast_in_dim3A_11 : vector<16xf32>
      %select_n3A_46 = arith.select %gt3A_40, %add3A_16, %broadcast_in_dim3A_13 : vector<16xi1>, vector<16xi32>
      %max3A_47 = arith.maximumf %get3A_25, %broadcast_in_dim3A_11 : vector<16xf32>
      %gt3A_48 = arith.cmpf ogt, %get3A_30, %broadcast_in_dim3A_11 : vector<16xf32>
      %gt3A_49 = arith.cmpf ogt, %get3A_30, %broadcast_in_dim3A_11 : vector<16xf32>
      %select_n3A_50 = arith.select %gt3A_49, %add3A_16, %broadcast_in_dim3A_13 : vector<16xi1>, vector<16xi32>
      %select_n3A_51 = arith.select %gt3A_48, %broadcast_in_dim3A_13, %select_n3A_50 : vector<16xi1>, vector<16xi32>
      %max3A_52 = arith.maximumf %get3A_30, %broadcast_in_dim3A_11 : vector<16xf32>
      %min3A_53 = arith.minimumf %max3A_52, %broadcast_in_dim3A_11 : vector<16xf32>
      %select_n3A_54 = arith.select %gt3A_48, %add3A_16, %broadcast_in_dim3A_13 : vector<16xi1>, vector<16xi32>
      %max3A_55 = arith.maximumf %get3A_30, %broadcast_in_dim3A_11 : vector<16xf32>
      %gt3A_56 = arith.cmpf ogt, %get3A_35, %broadcast_in_dim3A_11 : vector<16xf32>
      %gt3A_57 = arith.cmpf ogt, %get3A_35, %broadcast_in_dim3A_11 : vector<16xf32>
      %select_n3A_58 = arith.select %gt3A_57, %add3A_16, %broadcast_in_dim3A_13 : vector<16xi1>, vector<16xi32>
      %select_n3A_59 = arith.select %gt3A_56, %broadcast_in_dim3A_13, %select_n3A_58 : vector<16xi1>, vector<16xi32>
      %max3A_60 = arith.maximumf %get3A_35, %broadcast_in_dim3A_11 : vector<16xf32>
      %min3A_61 = arith.minimumf %max3A_60, %broadcast_in_dim3A_11 : vector<16xf32>
      %select_n3A_62 = arith.select %gt3A_56, %add3A_16, %broadcast_in_dim3A_13 : vector<16xi1>, vector<16xi32>
      %max3A_63 = arith.maximumf %get3A_35, %broadcast_in_dim3A_11 : vector<16xf32>
      %add3A_64 = arith.constant 1 : i32
      %add3A_65 = vector.broadcast %add3A_64 : i32 to vector<16xi32>
      %add3A_66 = arith.addi %broadcast_in_dim3A_13, %add3A_65 : vector<16xi32>
      %get3A_67 = arith.constant 1 : i32
      %get3A_68 = arith.index_cast %get3A_67 : i32 to index
      %get3A_69 = arith.index_cast %mul3A_10 : i32 to index
      %get3A_70 = tpu.vector_load %arg5[%get3A_68, %get3A_69] {strides = array<i32>} : memref<64x512xf32, #tpu.memory_space<vmem>>, vector<1x16xf32>,
      %get3A_71 = vector.shape_cast %get3A_70 : vector<1x16xf32> to vector<16xf32>
      %get3A_72 = arith.constant 17 : i32
      %get3A_73 = arith.index_cast %get3A_72 : i32 to index
      %get3A_74 = arith.index_cast %mul3A_10 : i32 to index
      %get3A_75 = tpu.vector_load %arg5[%get3A_73, %get3A_74] {strides = array<i32>} : memref<64x512xf32, #tpu.memory_space<vmem>>, vector<1x16xf32>,
      %get3A_76 = vector.shape_cast %get3A_75 : vector<1x16xf32> to vector<16xf32>
      %get3A_77 = arith.constant 33 : i32
      %get3A_78 = arith.index_cast %get3A_77 : i32 to index
      %get3A_79 = arith.index_cast %mul3A_10 : i32 to index
      %get3A_80 = tpu.vector_load %arg5[%get3A_78, %get3A_79] {strides = array<i32>} : memref<64x512xf32, #tpu.memory_space<vmem>>, vector<1x16xf32>,
      %get3A_81 = vector.shape_cast %get3A_80 : vector<1x16xf32> to vector<16xf32>
      %get3A_82 = arith.constant 49 : i32
      %get3A_83 = arith.index_cast %get3A_82 : i32 to index
      %get3A_84 = arith.index_cast %mul3A_10 : i32 to index
      %get3A_85 = tpu.vector_load %arg5[%get3A_83, %get3A_84] {strides = array<i32>} : memref<64x512xf32, #tpu.memory_space<vmem>>, vector<1x16xf32>,
      %get3A_86 = vector.shape_cast %get3A_85 : vector<1x16xf32> to vector<16xf32>
      %gt3A_87 = arith.cmpf ogt, %get3A_71, %max3A_39 : vector<16xf32>
      %gt3A_88 = arith.cmpf ogt, %get3A_71, %min3A : vector<16xf32>
      %select_n3A_89 = arith.select %gt3A_88, %add3A_66, %select_n3A_37 : vector<16xi1>, vector<16xi32>
      %select_n3A_90 = arith.select %gt3A_87, %select_n3A_38, %select_n3A_89 : vector<16xi1>, vector<16xi32>
      %max3A_91 = arith.maximumf %get3A_71, %min3A : vector<16xf32>
      %min3A_92 = arith.minimumf %max3A_91, %max3A_39 : vector<16xf32>
      %select_n3A_93 = arith.select %gt3A_87, %add3A_66, %select_n3A_38 : vector<16xi1>, vector<16xi32>
      %max3A_94 = arith.maximumf %get3A_71, %max3A_39 : vector<16xf32>
      %gt3A_95 = arith.cmpf ogt, %get3A_76, %max3A_47 : vector<16xf32>
      %gt3A_96 = arith.cmpf ogt, %get3A_76, %min3A_45 : vector<16xf32>
      %select_n3A_97 = arith.select %gt3A_96, %add3A_66, %select_n3A_43 : vector<16xi1>, vector<16xi32>
      %select_n3A_98 = arith.select %gt3A_95, %select_n3A_46, %select_n3A_97 : vector<16xi1>, vector<16xi32>
      %max3A_99 = arith.maximumf %get3A_76, %min3A_45 : vector<16xf32>
      %min3A_100 = arith.minimumf %max3A_99, %max3A_47 : vector<16xf32>
      %select_n3A_101 = arith.select %gt3A_95, %add3A_66, %select_n3A_46 : vector<16xi1>, vector<16xi32>
      %max3A_102 = arith.maximumf %get3A_76, %max3A_47 : vector<16xf32>
      %gt3A_103 = arith.cmpf ogt, %get3A_81, %max3A_55 : vector<16xf32>
      %gt3A_104 = arith.cmpf ogt, %get3A_81, %min3A_53 : vector<16xf32>
      %select_n3A_105 = arith.select %gt3A_104, %add3A_66, %select_n3A_51 : vector<16xi1>, vector<16xi32>
      %select_n3A_106 = arith.select %gt3A_103, %select_n3A_54, %select_n3A_105 : vector<16xi1>, vector<16xi32>
      %max3A_107 = arith.maximumf %get3A_81, %min3A_53 : vector<16xf32>
      %min3A_108 = arith.minimumf %max3A_107, %max3A_55 : vector<16xf32>
      %select_n3A_109 = arith.select %gt3A_103, %add3A_66, %select_n3A_54 : vector<16xi1>, vector<16xi32>
      %max3A_110 = arith.maximumf %get3A_81, %max3A_55 : vector<16xf32>
      %gt3A_111 = arith.cmpf ogt, %get3A_86, %max3A_63 : vector<16xf32>
      %gt3A_112 = arith.cmpf ogt, %get3A_86, %min3A_61 : vector<16xf32>
      %select_n3A_113 = arith.select %gt3A_112, %add3A_66, %select_n3A_59 : vector<16xi1>, vector<16xi32>
      %select_n3A_114 = arith.select %gt3A_111, %select_n3A_62, %select_n3A_113 : vector<16xi1>, vector<16xi32>
      %max3A_115 = arith.maximumf %get3A_86, %min3A_61 : vector<16xf32>
      %min3A_116 = arith.minimumf %max3A_115, %max3A_63 : vector<16xf32>
      %select_n3A_117 = arith.select %gt3A_111, %add3A_66, %select_n3A_62 : vector<16xi1>, vector<16xi32>
      %max3A_118 = arith.maximumf %get3A_86, %max3A_63 : vector<16xf32>
      %add3A_119 = arith.constant 2 : i32
      %add3A_120 = vector.broadcast %add3A_119 : i32 to vector<16xi32>
      %add3A_121 = arith.addi %broadcast_in_dim3A_13, %add3A_120 : vector<16xi32>
      %get3A_122 = arith.constant 2 : i32
      %get3A_123 = arith.index_cast %get3A_122 : i32 to index
      %get3A_124 = arith.index_cast %mul3A_10 : i32 to index
      %get3A_125 = tpu.vector_load %arg5[%get3A_123, %get3A_124] {strides = array<i32>} : memref<64x512xf32, #tpu.memory_space<vmem>>, vector<1x16xf32>,
      %get3A_126 = vector.shape_cast %get3A_125 : vector<1x16xf32> to vector<16xf32>
      %get3A_127 = arith.constant 18 : i32
      %get3A_128 = arith.index_cast %get3A_127 : i32 to index
      %get3A_129 = arith.index_cast %mul3A_10 : i32 to index
      %get3A_130 = tpu.vector_load %arg5[%get3A_128, %get3A_129] {strides = array<i32>} : memref<64x512xf32, #tpu.memory_space<vmem>>, vector<1x16xf32>,
      %get3A_131 = vector.shape_cast %get3A_130 : vector<1x16xf32> to vector<16xf32>
      %get3A_132 = arith.constant 34 : i32
      %get3A_133 = arith.index_cast %get3A_132 : i32 to index
      %get3A_134 = arith.index_cast %mul3A_10 : i32 to index
      %get3A_135 = tpu.vector_load %arg5[%get3A_133, %get3A_134] {strides = array<i32>} : memref<64x512xf32, #tpu.memory_space<vmem>>, vector<1x16xf32>,
      %get3A_136 = vector.shape_cast %get3A_135 : vector<1x16xf32> to vector<16xf32>
      %get3A_137 = arith.constant 50 : i32
      %get3A_138 = arith.index_cast %get3A_137 : i32 to index
      %get3A_139 = arith.index_cast %mul3A_10 : i32 to index
      %get3A_140 = tpu.vector_load %arg5[%get3A_138, %get3A_139] {strides = array<i32>} : memref<64x512xf32, #tpu.memory_space<vmem>>, vector<1x16xf32>,
      %get3A_141 = vector.shape_cast %get3A_140 : vector<1x16xf32> to vector<16xf32>
      %gt3A_142 = arith.cmpf ogt, %get3A_126, %max3A_94 : vector<16xf32>
      %gt3A_143 = arith.cmpf ogt, %get3A_126, %min3A_92 : vector<16xf32>
      %select_n3A_144 = arith.select %gt3A_143, %add3A_121, %select_n3A_90 : vector<16xi1>, vector<16xi32>
      %select_n3A_145 = arith.select %gt3A_142, %select_n3A_93, %select_n3A_144 : vector<16xi1>, vector<16xi32>
      %max3A_146 = arith.maximumf %get3A_126, %min3A_92 : vector<16xf32>
      %min3A_147 = arith.minimumf %max3A_146, %max3A_94 : vector<16xf32>
      %select_n3A_148 = arith.select %gt3A_142, %add3A_121, %select_n3A_93 : vector<16xi1>, vector<16xi32>
      %max3A_149 = arith.maximumf %get3A_126, %max3A_94 : vector<16xf32>
      %gt3A_150 = arith.cmpf ogt, %get3A_131, %max3A_102 : vector<16xf32>
      %gt3A_151 = arith.cmpf ogt, %get3A_131, %min3A_100 : vector<16xf32>
      %select_n3A_152 = arith.select %gt3A_151, %add3A_121, %select_n3A_98 : vector<16xi1>, vector<16xi32>
      %select_n3A_153 = arith.select %gt3A_150, %select_n3A_101, %select_n3A_152 : vector<16xi1>, vector<16xi32>
      %max3A_154 = arith.maximumf %get3A_131, %min3A_100 : vector<16xf32>
      %min3A_155 = arith.minimumf %max3A_154, %max3A_102 : vector<16xf32>
      %select_n3A_156 = arith.select %gt3A_150, %add3A_121, %select_n3A_101 : vector<16xi1>, vector<16xi32>
      %max3A_157 = arith.maximumf %get3A_131, %max3A_102 : vector<16xf32>
      %gt3A_158 = arith.cmpf ogt, %get3A_136, %max3A_110 : vector<16xf32>
      %gt3A_159 = arith.cmpf ogt, %get3A_136, %min3A_108 : vector<16xf32>
      %select_n3A_160 = arith.select %gt3A_159, %add3A_121, %select_n3A_106 : vector<16xi1>, vector<16xi32>
      %select_n3A_161 = arith.select %gt3A_158, %select_n3A_109, %select_n3A_160 : vector<16xi1>, vector<16xi32>
      %max3A_162 = arith.maximumf %get3A_136, %min3A_108 : vector<16xf32>
      %min3A_163 = arith.minimumf %max3A_162, %max3A_110 : vector<16xf32>
      %select_n3A_164 = arith.select %gt3A_158, %add3A_121, %select_n3A_109 : vector<16xi1>, vector<16xi32>
      %max3A_165 = arith.maximumf %get3A_136, %max3A_110 : vector<16xf32>
      %gt3A_166 = arith.cmpf ogt, %get3A_141, %max3A_118 : vector<16xf32>
      %gt3A_167 = arith.cmpf ogt, %get3A_141, %min3A_116 : vector<16xf32>
      %select_n3A_168 = arith.select %gt3A_167, %add3A_121, %select_n3A_114 : vector<16xi1>, vector<16xi32>
      %select_n3A_169 = arith.select %gt3A_166, %select_n3A_117, %select_n3A_168 : vector<16xi1>, vector<16xi32>
      %max3A_170 = arith.maximumf %get3A_141, %min3A_116 : vector<16xf32>
      %min3A_171 = arith.minimumf %max3A_170, %max3A_118 : vector<16xf32>
      %select_n3A_172 = arith.select %gt3A_166, %add3A_121, %select_n3A_117 : vector<16xi1>, vector<16xi32>
      %max3A_173 = arith.maximumf %get3A_141, %max3A_118 : vector<16xf32>
      %add3A_174 = arith.constant 3 : i32
      %add3A_175 = vector.broadcast %add3A_174 : i32 to vector<16xi32>
      %add3A_176 = arith.addi %broadcast_in_dim3A_13, %add3A_175 : vector<16xi32>
      %get3A_177 = arith.constant 3 : i32
      %get3A_178 = arith.index_cast %get3A_177 : i32 to index
      %get3A_179 = arith.index_cast %mul3A_10 : i32 to index
      %get3A_180 = tpu.vector_load %arg5[%get3A_178, %get3A_179] {strides = array<i32>} : memref<64x512xf32, #tpu.memory_space<vmem>>, vector<1x16xf32>,
      %get3A_181 = vector.shape_cast %get3A_180 : vector<1x16xf32> to vector<16xf32>
      %get3A_182 = arith.constant 19 : i32
      %get3A_183 = arith.index_cast %get3A_182 : i32 to index
      %get3A_184 = arith.index_cast %mul3A_10 : i32 to index
      %get3A_185 = tpu.vector_load %arg5[%get3A_183, %get3A_184] {strides = array<i32>} : memref<64x512xf32, #tpu.memory_space<vmem>>, vector<1x16xf32>,
      %get3A_186 = vector.shape_cast %get3A_185 : vector<1x16xf32> to vector<16xf32>
      %get3A_187 = arith.constant 35 : i32
      %get3A_188 = arith.index_cast %get3A_187 : i32 to index
      %get3A_189 = arith.index_cast %mul3A_10 : i32 to index
      %get3A_190 = tpu.vector_load %arg5[%get3A_188, %get3A_189] {strides = array<i32>} : memref<64x512xf32, #tpu.memory_space<vmem>>, vector<1x16xf32>,
      %get3A_191 = vector.shape_cast %get3A_190 : vector<1x16xf32> to vector<16xf32>
      %get3A_192 = arith.constant 51 : i32
      %get3A_193 = arith.index_cast %get3A_192 : i32 to index
      %get3A_194 = arith.index_cast %mul3A_10 : i32 to index
      %get3A_195 = tpu.vector_load %arg5[%get3A_193, %get3A_194] {strides = array<i32>} : memref<64x512xf32, #tpu.memory_space<vmem>>, vector<1x16xf32>,
      %get3A_196 = vector.shape_cast %get3A_195 : vector<1x16xf32> to vector<16xf32>
      %gt3A_197 = arith.cmpf ogt, %get3A_181, %max3A_149 : vector<16xf32>
      %gt3A_198 = arith.cmpf ogt, %get3A_181, %min3A_147 : vector<16xf32>
      %select_n3A_199 = arith.select %gt3A_198, %add3A_176, %select_n3A_145 : vector<16xi1>, vector<16xi32>
      %select_n3A_200 = arith.select %gt3A_197, %select_n3A_148, %select_n3A_199 : vector<16xi1>, vector<16xi32>
      %max3A_201 = arith.maximumf %get3A_181, %min3A_147 : vector<16xf32>
      %min3A_202 = arith.minimumf %max3A_201, %max3A_149 : vector<16xf32>
      %select_n3A_203 = arith.select %gt3A_197, %add3A_176, %select_n3A_148 : vector<16xi1>, vector<16xi32>
      %max3A_204 = arith.maximumf %get3A_181, %max3A_149 : vector<16xf32>
      %gt3A_205 = arith.cmpf ogt, %get3A_186, %max3A_157 : vector<16xf32>
      %gt3A_206 = arith.cmpf ogt, %get3A_186, %min3A_155 : vector<16xf32>
      %select_n3A_207 = arith.select %gt3A_206, %add3A_176, %select_n3A_153 : vector<16xi1>, vector<16xi32>
      %select_n3A_208 = arith.select %gt3A_205, %select_n3A_156, %select_n3A_207 : vector<16xi1>, vector<16xi32>
      %max3A_209 = arith.maximumf %get3A_186, %min3A_155 : vector<16xf32>
      %min3A_210 = arith.minimumf %max3A_209, %max3A_157 : vector<16xf32>
      %select_n3A_211 = arith.select %gt3A_205, %add3A_176, %select_n3A_156 : vector<16xi1>, vector<16xi32>
      %max3A_212 = arith.maximumf %get3A_186, %max3A_157 : vector<16xf32>
      %gt3A_213 = arith.cmpf ogt, %get3A_191, %max3A_165 : vector<16xf32>
      %gt3A_214 = arith.cmpf ogt, %get3A_191, %min3A_163 : vector<16xf32>
      %select_n3A_215 = arith.select %gt3A_214, %add3A_176, %select_n3A_161 : vector<16xi1>, vector<16xi32>
      %select_n3A_216 = arith.select %gt3A_213, %select_n3A_164, %select_n3A_215 : vector<16xi1>, vector<16xi32>
      %max3A_217 = arith.maximumf %get3A_191, %min3A_163 : vector<16xf32>
      %min3A_218 = arith.minimumf %max3A_217, %max3A_165 : vector<16xf32>
      %select_n3A_219 = arith.select %gt3A_213, %add3A_176, %select_n3A_164 : vector<16xi1>, vector<16xi32>
      %max3A_220 = arith.maximumf %get3A_191, %max3A_165 : vector<16xf32>
      %gt3A_221 = arith.cmpf ogt, %get3A_196, %max3A_173 : vector<16xf32>
      %gt3A_222 = arith.cmpf ogt, %get3A_196, %min3A_171 : vector<16xf32>
      %select_n3A_223 = arith.select %gt3A_222, %add3A_176, %select_n3A_169 : vector<16xi1>, vector<16xi32>
      %select_n3A_224 = arith.select %gt3A_221, %select_n3A_172, %select_n3A_223 : vector<16xi1>, vector<16xi32>
      %max3A_225 = arith.maximumf %get3A_196, %min3A_171 : vector<16xf32>
      %min3A_226 = arith.minimumf %max3A_225, %max3A_173 : vector<16xf32>
      %select_n3A_227 = arith.select %gt3A_221, %add3A_176, %select_n3A_172 : vector<16xi1>, vector<16xi32>
      %max3A_228 = arith.maximumf %get3A_196, %max3A_173 : vector<16xf32>
      %add3A_229 = arith.constant 4 : i32
      %add3A_230 = vector.broadcast %add3A_229 : i32 to vector<16xi32>
      %add3A_231 = arith.addi %broadcast_in_dim3A_13, %add3A_230 : vector<16xi32>
      %get3A_232 = arith.constant 4 : i32
      %get3A_233 = arith.index_cast %get3A_232 : i32 to index
      %get3A_234 = arith.index_cast %mul3A_10 : i32 to index
      %get3A_235 = tpu.vector_load %arg5[%get3A_233, %get3A_234] {strides = array<i32>} : memref<64x512xf32, #tpu.memory_space<vmem>>, vector<1x16xf32>,
      %get3A_236 = vector.shape_cast %get3A_235 : vector<1x16xf32> to vector<16xf32>
      %get3A_237 = arith.constant 20 : i32
      %get3A_238 = arith.index_cast %get3A_237 : i32 to index
      %get3A_239 = arith.index_cast %mul3A_10 : i32 to index
      %get3A_240 = tpu.vector_load %arg5[%get3A_238, %get3A_239] {strides = array<i32>} : memref<64x512xf32, #tpu.memory_space<vmem>>, vector<1x16xf32>,
      %get3A_241 = vector.shape_cast %get3A_240 : vector<1x16xf32> to vector<16xf32>
      %get3A_242 = arith.constant 36 : i32
      %get3A_243 = arith.index_cast %get3A_242 : i32 to index
      %get3A_244 = arith.index_cast %mul3A_10 : i32 to index
      %get3A_245 = tpu.vector_load %arg5[%get3A_243, %get3A_244] {strides = array<i32>} : memref<64x512xf32, #tpu.memory_space<vmem>>, vector<1x16xf32>,
      %get3A_246 = vector.shape_cast %get3A_245 : vector<1x16xf32> to vector<16xf32>
      %get3A_247 = arith.constant 52 : i32
      %get3A_248 = arith.index_cast %get3A_247 : i32 to index
      %get3A_249 = arith.index_cast %mul3A_10 : i32 to index
      %get3A_250 = tpu.vector_load %arg5[%get3A_248, %get3A_249] {strides = array<i32>} : memref<64x512xf32, #tpu.memory_space<vmem>>, vector<1x16xf32>,
      %get3A_251 = vector.shape_cast %get3A_250 : vector<1x16xf32> to vector<16xf32>
      %gt3A_252 = arith.cmpf ogt, %get3A_236, %max3A_204 : vector<16xf32>
      %gt3A_253 = arith.cmpf ogt, %get3A_236, %min3A_202 : vector<16xf32>
      %select_n3A_254 = arith.select %gt3A_253, %add3A_231, %select_n3A_200 : vector<16xi1>, vector<16xi32>
      %select_n3A_255 = arith.select %gt3A_252, %select_n3A_203, %select_n3A_254 : vector<16xi1>, vector<16xi32>
      %max3A_256 = arith.maximumf %get3A_236, %min3A_202 : vector<16xf32>
      %min3A_257 = arith.minimumf %max3A_256, %max3A_204 : vector<16xf32>
      %select_n3A_258 = arith.select %gt3A_252, %add3A_231, %select_n3A_203 : vector<16xi1>, vector<16xi32>
      %max3A_259 = arith.maximumf %get3A_236, %max3A_204 : vector<16xf32>
      %gt3A_260 = arith.cmpf ogt, %get3A_241, %max3A_212 : vector<16xf32>
      %gt3A_261 = arith.cmpf ogt, %get3A_241, %min3A_210 : vector<16xf32>
      %select_n3A_262 = arith.select %gt3A_261, %add3A_231, %select_n3A_208 : vector<16xi1>, vector<16xi32>
      %select_n3A_263 = arith.select %gt3A_260, %select_n3A_211, %select_n3A_262 : vector<16xi1>, vector<16xi32>
      %max3A_264 = arith.maximumf %get3A_241, %min3A_210 : vector<16xf32>
      %min3A_265 = arith.minimumf %max3A_264, %max3A_212 : vector<16xf32>
      %select_n3A_266 = arith.select %gt3A_260, %add3A_231, %select_n3A_211 : vector<16xi1>, vector<16xi32>
      %max3A_267 = arith.maximumf %get3A_241, %max3A_212 : vector<16xf32>
      %gt3A_268 = arith.cmpf ogt, %get3A_246, %max3A_220 : vector<16xf32>
      %gt3A_269 = arith.cmpf ogt, %get3A_246, %min3A_218 : vector<16xf32>
      %select_n3A_270 = arith.select %gt3A_269, %add3A_231, %select_n3A_216 : vector<16xi1>, vector<16xi32>
      %select_n3A_271 = arith.select %gt3A_268, %select_n3A_219, %select_n3A_270 : vector<16xi1>, vector<16xi32>
      %max3A_272 = arith.maximumf %get3A_246, %min3A_218 : vector<16xf32>
      %min3A_273 = arith.minimumf %max3A_272, %max3A_220 : vector<16xf32>
      %select_n3A_274 = arith.select %gt3A_268, %add3A_231, %select_n3A_219 : vector<16xi1>, vector<16xi32>
      %max3A_275 = arith.maximumf %get3A_246, %max3A_220 : vector<16xf32>
      %gt3A_276 = arith.cmpf ogt, %get3A_251, %max3A_228 : vector<16xf32>
      %gt3A_277 = arith.cmpf ogt, %get3A_251, %min3A_226 : vector<16xf32>
      %select_n3A_278 = arith.select %gt3A_277, %add3A_231, %select_n3A_224 : vector<16xi1>, vector<16xi32>
      %select_n3A_279 = arith.select %gt3A_276, %select_n3A_227, %select_n3A_278 : vector<16xi1>, vector<16xi32>
      %max3A_280 = arith.maximumf %get3A_251, %min3A_226 : vector<16xf32>
      %min3A_281 = arith.minimumf %max3A_280, %max3A_228 : vector<16xf32>
      %select_n3A_282 = arith.select %gt3A_276, %add3A_231, %select_n3A_227 : vector<16xi1>, vector<16xi32>
      %max3A_283 = arith.maximumf %get3A_251, %max3A_228 : vector<16xf32>
      %add3A_284 = arith.constant 5 : i32
      %add3A_285 = vector.broadcast %add3A_284 : i32 to vector<16xi32>
      %add3A_286 = arith.addi %broadcast_in_dim3A_13, %add3A_285 : vector<16xi32>
      %get3A_287 = arith.constant 5 : i32
      %get3A_288 = arith.index_cast %get3A_287 : i32 to index
      %get3A_289 = arith.index_cast %mul3A_10 : i32 to index
      %get3A_290 = tpu.vector_load %arg5[%get3A_288, %get3A_289] {strides = array<i32>} : memref<64x512xf32, #tpu.memory_space<vmem>>, vector<1x16xf32>,
      %get3A_291 = vector.shape_cast %get3A_290 : vector<1x16xf32> to vector<16xf32>
      %get3A_292 = arith.constant 21 : i32
      %get3A_293 = arith.index_cast %get3A_292 : i32 to index
      %get3A_294 = arith.index_cast %mul3A_10 : i32 to index
      %get3A_295 = tpu.vector_load %arg5[%get3A_293, %get3A_294] {strides = array<i32>} : memref<64x512xf32, #tpu.memory_space<vmem>>, vector<1x16xf32>,
      %get3A_296 = vector.shape_cast %get3A_295 : vector<1x16xf32> to vector<16xf32>
      %get3A_297 = arith.constant 37 : i32
      %get3A_298 = arith.index_cast %get3A_297 : i32 to index
      %get3A_299 = arith.index_cast %mul3A_10 : i32 to index
      %get3A_300 = tpu.vector_load %arg5[%get3A_298, %get3A_299] {strides = array<i32>} : memref<64x512xf32, #tpu.memory_space<vmem>>, vector<1x16xf32>,
      %get3A_301 = vector.shape_cast %get3A_300 : vector<1x16xf32> to vector<16xf32>
      %get3A_302 = arith.constant 53 : i32
      %get3A_303 = arith.index_cast %get3A_302 : i32 to index
      %get3A_304 = arith.index_cast %mul3A_10 : i32 to index
      %get3A_305 = tpu.vector_load %arg5[%get3A_303, %get3A_304] {strides = array<i32>} : memref<64x512xf32, #tpu.memory_space<vmem>>, vector<1x16xf32>,
      %get3A_306 = vector.shape_cast %get3A_305 : vector<1x16xf32> to vector<16xf32>
      %gt3A_307 = arith.cmpf ogt, %get3A_291, %max3A_259 : vector<16xf32>
      %gt3A_308 = arith.cmpf ogt, %get3A_291, %min3A_257 : vector<16xf32>
      %select_n3A_309 = arith.select %gt3A_308, %add3A_286, %select_n3A_255 : vector<16xi1>, vector<16xi32>
      %select_n3A_310 = arith.select %gt3A_307, %select_n3A_258, %select_n3A_309 : vector<16xi1>, vector<16xi32>
      %max3A_311 = arith.maximumf %get3A_291, %min3A_257 : vector<16xf32>
      %min3A_312 = arith.minimumf %max3A_311, %max3A_259 : vector<16xf32>
      %select_n3A_313 = arith.select %gt3A_307, %add3A_286, %select_n3A_258 : vector<16xi1>, vector<16xi32>
      %max3A_314 = arith.maximumf %get3A_291, %max3A_259 : vector<16xf32>
      %gt3A_315 = arith.cmpf ogt, %get3A_296, %max3A_267 : vector<16xf32>
      %gt3A_316 = arith.cmpf ogt, %get3A_296, %min3A_265 : vector<16xf32>
      %select_n3A_317 = arith.select %gt3A_316, %add3A_286, %select_n3A_263 : vector<16xi1>, vector<16xi32>
      %select_n3A_318 = arith.select %gt3A_315, %select_n3A_266, %select_n3A_317 : vector<16xi1>, vector<16xi32>
      %max3A_319 = arith.maximumf %get3A_296, %min3A_265 : vector<16xf32>
      %min3A_320 = arith.minimumf %max3A_319, %max3A_267 : vector<16xf32>
      %select_n3A_321 = arith.select %gt3A_315, %add3A_286, %select_n3A_266 : vector<16xi1>, vector<16xi32>
      %max3A_322 = arith.maximumf %get3A_296, %max3A_267 : vector<16xf32>
      %gt3A_323 = arith.cmpf ogt, %get3A_301, %max3A_275 : vector<16xf32>
      %gt3A_324 = arith.cmpf ogt, %get3A_301, %min3A_273 : vector<16xf32>
      %select_n3A_325 = arith.select %gt3A_324, %add3A_286, %select_n3A_271 : vector<16xi1>, vector<16xi32>
      %select_n3A_326 = arith.select %gt3A_323, %select_n3A_274, %select_n3A_325 : vector<16xi1>, vector<16xi32>
      %max3A_327 = arith.maximumf %get3A_301, %min3A_273 : vector<16xf32>
      %min3A_328 = arith.minimumf %max3A_327, %max3A_275 : vector<16xf32>
      %select_n3A_329 = arith.select %gt3A_323, %add3A_286, %select_n3A_274 : vector<16xi1>, vector<16xi32>
      %max3A_330 = arith.maximumf %get3A_301, %max3A_275 : vector<16xf32>
      %gt3A_331 = arith.cmpf ogt, %get3A_306, %max3A_283 : vector<16xf32>
      %gt3A_332 = arith.cmpf ogt, %get3A_306, %min3A_281 : vector<16xf32>
      %select_n3A_333 = arith.select %gt3A_332, %add3A_286, %select_n3A_279 : vector<16xi1>, vector<16xi32>
      %select_n3A_334 = arith.select %gt3A_331, %select_n3A_282, %select_n3A_333 : vector<16xi1>, vector<16xi32>
      %max3A_335 = arith.maximumf %get3A_306, %min3A_281 : vector<16xf32>
      %min3A_336 = arith.minimumf %max3A_335, %max3A_283 : vector<16xf32>
      %select_n3A_337 = arith.select %gt3A_331, %add3A_286, %select_n3A_282 : vector<16xi1>, vector<16xi32>
      %max3A_338 = arith.maximumf %get3A_306, %max3A_283 : vector<16xf32>
      %add3A_339 = arith.constant 6 : i32
      %add3A_340 = vector.broadcast %add3A_339 : i32 to vector<16xi32>
      %add3A_341 = arith.addi %broadcast_in_dim3A_13, %add3A_340 : vector<16xi32>
      %get3A_342 = arith.constant 6 : i32
      %get3A_343 = arith.index_cast %get3A_342 : i32 to index
      %get3A_344 = arith.index_cast %mul3A_10 : i32 to index
      %get3A_345 = tpu.vector_load %arg5[%get3A_343, %get3A_344] {strides = array<i32>} : memref<64x512xf32, #tpu.memory_space<vmem>>, vector<1x16xf32>,
      %get3A_346 = vector.shape_cast %get3A_345 : vector<1x16xf32> to vector<16xf32>
      %get3A_347 = arith.constant 22 : i32
      %get3A_348 = arith.index_cast %get3A_347 : i32 to index
      %get3A_349 = arith.index_cast %mul3A_10 : i32 to index
      %get3A_350 = tpu.vector_load %arg5[%get3A_348, %get3A_349] {strides = array<i32>} : memref<64x512xf32, #tpu.memory_space<vmem>>, vector<1x16xf32>,
      %get3A_351 = vector.shape_cast %get3A_350 : vector<1x16xf32> to vector<16xf32>
      %get3A_352 = arith.constant 38 : i32
      %get3A_353 = arith.index_cast %get3A_352 : i32 to index
      %get3A_354 = arith.index_cast %mul3A_10 : i32 to index
      %get3A_355 = tpu.vector_load %arg5[%get3A_353, %get3A_354] {strides = array<i32>} : memref<64x512xf32, #tpu.memory_space<vmem>>, vector<1x16xf32>,
      %get3A_356 = vector.shape_cast %get3A_355 : vector<1x16xf32> to vector<16xf32>
      %get3A_357 = arith.constant 54 : i32
      %get3A_358 = arith.index_cast %get3A_357 : i32 to index
      %get3A_359 = arith.index_cast %mul3A_10 : i32 to index
      %get3A_360 = tpu.vector_load %arg5[%get3A_358, %get3A_359] {strides = array<i32>} : memref<64x512xf32, #tpu.memory_space<vmem>>, vector<1x16xf32>,
      %get3A_361 = vector.shape_cast %get3A_360 : vector<1x16xf32> to vector<16xf32>
      %gt3A_362 = arith.cmpf ogt, %get3A_346, %max3A_314 : vector<16xf32>
      %gt3A_363 = arith.cmpf ogt, %get3A_346, %min3A_312 : vector<16xf32>
      %select_n3A_364 = arith.select %gt3A_363, %add3A_341, %select_n3A_310 : vector<16xi1>, vector<16xi32>
      %select_n3A_365 = arith.select %gt3A_362, %select_n3A_313, %select_n3A_364 : vector<16xi1>, vector<16xi32>
      %max3A_366 = arith.maximumf %get3A_346, %min3A_312 : vector<16xf32>
      %min3A_367 = arith.minimumf %max3A_366, %max3A_314 : vector<16xf32>
      %select_n3A_368 = arith.select %gt3A_362, %add3A_341, %select_n3A_313 : vector<16xi1>, vector<16xi32>
      %max3A_369 = arith.maximumf %get3A_346, %max3A_314 : vector<16xf32>
      %gt3A_370 = arith.cmpf ogt, %get3A_351, %max3A_322 : vector<16xf32>
      %gt3A_371 = arith.cmpf ogt, %get3A_351, %min3A_320 : vector<16xf32>
      %select_n3A_372 = arith.select %gt3A_371, %add3A_341, %select_n3A_318 : vector<16xi1>, vector<16xi32>
      %select_n3A_373 = arith.select %gt3A_370, %select_n3A_321, %select_n3A_372 : vector<16xi1>, vector<16xi32>
      %max3A_374 = arith.maximumf %get3A_351, %min3A_320 : vector<16xf32>
      %min3A_375 = arith.minimumf %max3A_374, %max3A_322 : vector<16xf32>
      %select_n3A_376 = arith.select %gt3A_370, %add3A_341, %select_n3A_321 : vector<16xi1>, vector<16xi32>
      %max3A_377 = arith.maximumf %get3A_351, %max3A_322 : vector<16xf32>
      %gt3A_378 = arith.cmpf ogt, %get3A_356, %max3A_330 : vector<16xf32>
      %gt3A_379 = arith.cmpf ogt, %get3A_356, %min3A_328 : vector<16xf32>
      %select_n3A_380 = arith.select %gt3A_379, %add3A_341, %select_n3A_326 : vector<16xi1>, vector<16xi32>
      %select_n3A_381 = arith.select %gt3A_378, %select_n3A_329, %select_n3A_380 : vector<16xi1>, vector<16xi32>
      %max3A_382 = arith.maximumf %get3A_356, %min3A_328 : vector<16xf32>
      %min3A_383 = arith.minimumf %max3A_382, %max3A_330 : vector<16xf32>
      %select_n3A_384 = arith.select %gt3A_378, %add3A_341, %select_n3A_329 : vector<16xi1>, vector<16xi32>
      %max3A_385 = arith.maximumf %get3A_356, %max3A_330 : vector<16xf32>
      %gt3A_386 = arith.cmpf ogt, %get3A_361, %max3A_338 : vector<16xf32>
      %gt3A_387 = arith.cmpf ogt, %get3A_361, %min3A_336 : vector<16xf32>
      %select_n3A_388 = arith.select %gt3A_387, %add3A_341, %select_n3A_334 : vector<16xi1>, vector<16xi32>
      %select_n3A_389 = arith.select %gt3A_386, %select_n3A_337, %select_n3A_388 : vector<16xi1>, vector<16xi32>
      %max3A_390 = arith.maximumf %get3A_361, %min3A_336 : vector<16xf32>
      %min3A_391 = arith.minimumf %max3A_390, %max3A_338 : vector<16xf32>
      %select_n3A_392 = arith.select %gt3A_386, %add3A_341, %select_n3A_337 : vector<16xi1>, vector<16xi32>
      %max3A_393 = arith.maximumf %get3A_361, %max3A_338 : vector<16xf32>
      %add3A_394 = arith.constant 7 : i32
      %add3A_395 = vector.broadcast %add3A_394 : i32 to vector<16xi32>
      %add3A_396 = arith.addi %broadcast_in_dim3A_13, %add3A_395 : vector<16xi32>
      %get3A_397 = arith.constant 7 : i32
      %get3A_398 = arith.index_cast %get3A_397 : i32 to index
      %get3A_399 = arith.index_cast %mul3A_10 : i32 to index
      %get3A_400 = tpu.vector_load %arg5[%get3A_398, %get3A_399] {strides = array<i32>} : memref<64x512xf32, #tpu.memory_space<vmem>>, vector<1x16xf32>,
      %get3A_401 = vector.shape_cast %get3A_400 : vector<1x16xf32> to vector<16xf32>
      %get3A_402 = arith.constant 23 : i32
      %get3A_403 = arith.index_cast %get3A_402 : i32 to index
      %get3A_404 = arith.index_cast %mul3A_10 : i32 to index
      %get3A_405 = tpu.vector_load %arg5[%get3A_403, %get3A_404] {strides = array<i32>} : memref<64x512xf32, #tpu.memory_space<vmem>>, vector<1x16xf32>,
      %get3A_406 = vector.shape_cast %get3A_405 : vector<1x16xf32> to vector<16xf32>
      %get3A_407 = arith.constant 39 : i32
      %get3A_408 = arith.index_cast %get3A_407 : i32 to index
      %get3A_409 = arith.index_cast %mul3A_10 : i32 to index
      %get3A_410 = tpu.vector_load %arg5[%get3A_408, %get3A_409] {strides = array<i32>} : memref<64x512xf32, #tpu.memory_space<vmem>>, vector<1x16xf32>,
      %get3A_411 = vector.shape_cast %get3A_410 : vector<1x16xf32> to vector<16xf32>
      %get3A_412 = arith.constant 55 : i32
      %get3A_413 = arith.index_cast %get3A_412 : i32 to index
      %get3A_414 = arith.index_cast %mul3A_10 : i32 to index
      %get3A_415 = tpu.vector_load %arg5[%get3A_413, %get3A_414] {strides = array<i32>} : memref<64x512xf32, #tpu.memory_space<vmem>>, vector<1x16xf32>,
      %get3A_416 = vector.shape_cast %get3A_415 : vector<1x16xf32> to vector<16xf32>
      %gt3A_417 = arith.cmpf ogt, %get3A_401, %max3A_369 : vector<16xf32>
      %gt3A_418 = arith.cmpf ogt, %get3A_401, %min3A_367 : vector<16xf32>
      %select_n3A_419 = arith.select %gt3A_418, %add3A_396, %select_n3A_365 : vector<16xi1>, vector<16xi32>
      %select_n3A_420 = arith.select %gt3A_417, %select_n3A_368, %select_n3A_419 : vector<16xi1>, vector<16xi32>
      %max3A_421 = arith.maximumf %get3A_401, %min3A_367 : vector<16xf32>
      %min3A_422 = arith.minimumf %max3A_421, %max3A_369 : vector<16xf32>
      %select_n3A_423 = arith.select %gt3A_417, %add3A_396, %select_n3A_368 : vector<16xi1>, vector<16xi32>
      %max3A_424 = arith.maximumf %get3A_401, %max3A_369 : vector<16xf32>
      %gt3A_425 = arith.cmpf ogt, %get3A_406, %max3A_377 : vector<16xf32>
      %gt3A_426 = arith.cmpf ogt, %get3A_406, %min3A_375 : vector<16xf32>
      %select_n3A_427 = arith.select %gt3A_426, %add3A_396, %select_n3A_373 : vector<16xi1>, vector<16xi32>
      %select_n3A_428 = arith.select %gt3A_425, %select_n3A_376, %select_n3A_427 : vector<16xi1>, vector<16xi32>
      %max3A_429 = arith.maximumf %get3A_406, %min3A_375 : vector<16xf32>
      %min3A_430 = arith.minimumf %max3A_429, %max3A_377 : vector<16xf32>
      %select_n3A_431 = arith.select %gt3A_425, %add3A_396, %select_n3A_376 : vector<16xi1>, vector<16xi32>
      %max3A_432 = arith.maximumf %get3A_406, %max3A_377 : vector<16xf32>
      %gt3A_433 = arith.cmpf ogt, %get3A_411, %max3A_385 : vector<16xf32>
      %gt3A_434 = arith.cmpf ogt, %get3A_411, %min3A_383 : vector<16xf32>
      %select_n3A_435 = arith.select %gt3A_434, %add3A_396, %select_n3A_381 : vector<16xi1>, vector<16xi32>
      %select_n3A_436 = arith.select %gt3A_433, %select_n3A_384, %select_n3A_435 : vector<16xi1>, vector<16xi32>
      %max3A_437 = arith.maximumf %get3A_411, %min3A_383 : vector<16xf32>
      %min3A_438 = arith.minimumf %max3A_437, %max3A_385 : vector<16xf32>
      %select_n3A_439 = arith.select %gt3A_433, %add3A_396, %select_n3A_384 : vector<16xi1>, vector<16xi32>
      %max3A_440 = arith.maximumf %get3A_411, %max3A_385 : vector<16xf32>
      %gt3A_441 = arith.cmpf ogt, %get3A_416, %max3A_393 : vector<16xf32>
      %gt3A_442 = arith.cmpf ogt, %get3A_416, %min3A_391 : vector<16xf32>
      %select_n3A_443 = arith.select %gt3A_442, %add3A_396, %select_n3A_389 : vector<16xi1>, vector<16xi32>
      %select_n3A_444 = arith.select %gt3A_441, %select_n3A_392, %select_n3A_443 : vector<16xi1>, vector<16xi32>
      %max3A_445 = arith.maximumf %get3A_416, %min3A_391 : vector<16xf32>
      %min3A_446 = arith.minimumf %max3A_445, %max3A_393 : vector<16xf32>
      %select_n3A_447 = arith.select %gt3A_441, %add3A_396, %select_n3A_392 : vector<16xi1>, vector<16xi32>
      %max3A_448 = arith.maximumf %get3A_416, %max3A_393 : vector<16xf32>
      %add3A_449 = arith.constant 8 : i32
      %add3A_450 = vector.broadcast %add3A_449 : i32 to vector<16xi32>
      %add3A_451 = arith.addi %broadcast_in_dim3A_13, %add3A_450 : vector<16xi32>
      %get3A_452 = arith.constant 8 : i32
      %get3A_453 = arith.index_cast %get3A_452 : i32 to index
      %get3A_454 = arith.index_cast %mul3A_10 : i32 to index
      %get3A_455 = tpu.vector_load %arg5[%get3A_453, %get3A_454] {strides = array<i32>} : memref<64x512xf32, #tpu.memory_space<vmem>>, vector<1x16xf32>,
      %get3A_456 = vector.shape_cast %get3A_455 : vector<1x16xf32> to vector<16xf32>
      %get3A_457 = arith.constant 24 : i32
      %get3A_458 = arith.index_cast %get3A_457 : i32 to index
      %get3A_459 = arith.index_cast %mul3A_10 : i32 to index
      %get3A_460 = tpu.vector_load %arg5[%get3A_458, %get3A_459] {strides = array<i32>} : memref<64x512xf32, #tpu.memory_space<vmem>>, vector<1x16xf32>,
      %get3A_461 = vector.shape_cast %get3A_460 : vector<1x16xf32> to vector<16xf32>
      %get3A_462 = arith.constant 40 : i32
      %get3A_463 = arith.index_cast %get3A_462 : i32 to index
      %get3A_464 = arith.index_cast %mul3A_10 : i32 to index
      %get3A_465 = tpu.vector_load %arg5[%get3A_463, %get3A_464] {strides = array<i32>} : memref<64x512xf32, #tpu.memory_space<vmem>>, vector<1x16xf32>,
      %get3A_466 = vector.shape_cast %get3A_465 : vector<1x16xf32> to vector<16xf32>
      %get3A_467 = arith.constant 56 : i32
      %get3A_468 = arith.index_cast %get3A_467 : i32 to index
      %get3A_469 = arith.index_cast %mul3A_10 : i32 to index
      %get3A_470 = tpu.vector_load %arg5[%get3A_468, %get3A_469] {strides = array<i32>} : memref<64x512xf32, #tpu.memory_space<vmem>>, vector<1x16xf32>,
      %get3A_471 = vector.shape_cast %get3A_470 : vector<1x16xf32> to vector<16xf32>
      %gt3A_472 = arith.cmpf ogt, %get3A_456, %max3A_424 : vector<16xf32>
      %gt3A_473 = arith.cmpf ogt, %get3A_456, %min3A_422 : vector<16xf32>
      %select_n3A_474 = arith.select %gt3A_473, %add3A_451, %select_n3A_420 : vector<16xi1>, vector<16xi32>
      %select_n3A_475 = arith.select %gt3A_472, %select_n3A_423, %select_n3A_474 : vector<16xi1>, vector<16xi32>
      %max3A_476 = arith.maximumf %get3A_456, %min3A_422 : vector<16xf32>
      %min3A_477 = arith.minimumf %max3A_476, %max3A_424 : vector<16xf32>
      %select_n3A_478 = arith.select %gt3A_472, %add3A_451, %select_n3A_423 : vector<16xi1>, vector<16xi32>
      %max3A_479 = arith.maximumf %get3A_456, %max3A_424 : vector<16xf32>
      %gt3A_480 = arith.cmpf ogt, %get3A_461, %max3A_432 : vector<16xf32>
      %gt3A_481 = arith.cmpf ogt, %get3A_461, %min3A_430 : vector<16xf32>
      %select_n3A_482 = arith.select %gt3A_481, %add3A_451, %select_n3A_428 : vector<16xi1>, vector<16xi32>
      %select_n3A_483 = arith.select %gt3A_480, %select_n3A_431, %select_n3A_482 : vector<16xi1>, vector<16xi32>
      %max3A_484 = arith.maximumf %get3A_461, %min3A_430 : vector<16xf32>
      %min3A_485 = arith.minimumf %max3A_484, %max3A_432 : vector<16xf32>
      %select_n3A_486 = arith.select %gt3A_480, %add3A_451, %select_n3A_431 : vector<16xi1>, vector<16xi32>
      %max3A_487 = arith.maximumf %get3A_461, %max3A_432 : vector<16xf32>
      %gt3A_488 = arith.cmpf ogt, %get3A_466, %max3A_440 : vector<16xf32>
      %gt3A_489 = arith.cmpf ogt, %get3A_466, %min3A_438 : vector<16xf32>
      %select_n3A_490 = arith.select %gt3A_489, %add3A_451, %select_n3A_436 : vector<16xi1>, vector<16xi32>
      %select_n3A_491 = arith.select %gt3A_488, %select_n3A_439, %select_n3A_490 : vector<16xi1>, vector<16xi32>
      %max3A_492 = arith.maximumf %get3A_466, %min3A_438 : vector<16xf32>
      %min3A_493 = arith.minimumf %max3A_492, %max3A_440 : vector<16xf32>
      %select_n3A_494 = arith.select %gt3A_488, %add3A_451, %select_n3A_439 : vector<16xi1>, vector<16xi32>
      %max3A_495 = arith.maximumf %get3A_466, %max3A_440 : vector<16xf32>
      %gt3A_496 = arith.cmpf ogt, %get3A_471, %max3A_448 : vector<16xf32>
      %gt3A_497 = arith.cmpf ogt, %get3A_471, %min3A_446 : vector<16xf32>
      %select_n3A_498 = arith.select %gt3A_497, %add3A_451, %select_n3A_444 : vector<16xi1>, vector<16xi32>
      %select_n3A_499 = arith.select %gt3A_496, %select_n3A_447, %select_n3A_498 : vector<16xi1>, vector<16xi32>
      %max3A_500 = arith.maximumf %get3A_471, %min3A_446 : vector<16xf32>
      %min3A_501 = arith.minimumf %max3A_500, %max3A_448 : vector<16xf32>
      %select_n3A_502 = arith.select %gt3A_496, %add3A_451, %select_n3A_447 : vector<16xi1>, vector<16xi32>
      %max3A_503 = arith.maximumf %get3A_471, %max3A_448 : vector<16xf32>
      %add3A_504 = arith.constant 9 : i32
      %add3A_505 = vector.broadcast %add3A_504 : i32 to vector<16xi32>
      %add3A_506 = arith.addi %broadcast_in_dim3A_13, %add3A_505 : vector<16xi32>
      %get3A_507 = arith.constant 9 : i32
      %get3A_508 = arith.index_cast %get3A_507 : i32 to index
      %get3A_509 = arith.index_cast %mul3A_10 : i32 to index
      %get3A_510 = tpu.vector_load %arg5[%get3A_508, %get3A_509] {strides = array<i32>} : memref<64x512xf32, #tpu.memory_space<vmem>>, vector<1x16xf32>,
      %get3A_511 = vector.shape_cast %get3A_510 : vector<1x16xf32> to vector<16xf32>
      %get3A_512 = arith.constant 25 : i32
      %get3A_513 = arith.index_cast %get3A_512 : i32 to index
      %get3A_514 = arith.index_cast %mul3A_10 : i32 to index
      %get3A_515 = tpu.vector_load %arg5[%get3A_513, %get3A_514] {strides = array<i32>} : memref<64x512xf32, #tpu.memory_space<vmem>>, vector<1x16xf32>,
      %get3A_516 = vector.shape_cast %get3A_515 : vector<1x16xf32> to vector<16xf32>
      %get3A_517 = arith.constant 41 : i32
      %get3A_518 = arith.index_cast %get3A_517 : i32 to index
      %get3A_519 = arith.index_cast %mul3A_10 : i32 to index
      %get3A_520 = tpu.vector_load %arg5[%get3A_518, %get3A_519] {strides = array<i32>} : memref<64x512xf32, #tpu.memory_space<vmem>>, vector<1x16xf32>,
      %get3A_521 = vector.shape_cast %get3A_520 : vector<1x16xf32> to vector<16xf32>
      %get3A_522 = arith.constant 57 : i32
      %get3A_523 = arith.index_cast %get3A_522 : i32 to index
      %get3A_524 = arith.index_cast %mul3A_10 : i32 to index
      %get3A_525 = tpu.vector_load %arg5[%get3A_523, %get3A_524] {strides = array<i32>} : memref<64x512xf32, #tpu.memory_space<vmem>>, vector<1x16xf32>,
      %get3A_526 = vector.shape_cast %get3A_525 : vector<1x16xf32> to vector<16xf32>
      %gt3A_527 = arith.cmpf ogt, %get3A_511, %max3A_479 : vector<16xf32>
      %gt3A_528 = arith.cmpf ogt, %get3A_511, %min3A_477 : vector<16xf32>
      %select_n3A_529 = arith.select %gt3A_528, %add3A_506, %select_n3A_475 : vector<16xi1>, vector<16xi32>
      %select_n3A_530 = arith.select %gt3A_527, %select_n3A_478, %select_n3A_529 : vector<16xi1>, vector<16xi32>
      %max3A_531 = arith.maximumf %get3A_511, %min3A_477 : vector<16xf32>
      %min3A_532 = arith.minimumf %max3A_531, %max3A_479 : vector<16xf32>
      %select_n3A_533 = arith.select %gt3A_527, %add3A_506, %select_n3A_478 : vector<16xi1>, vector<16xi32>
      %max3A_534 = arith.maximumf %get3A_511, %max3A_479 : vector<16xf32>
      %gt3A_535 = arith.cmpf ogt, %get3A_516, %max3A_487 : vector<16xf32>
      %gt3A_536 = arith.cmpf ogt, %get3A_516, %min3A_485 : vector<16xf32>
      %select_n3A_537 = arith.select %gt3A_536, %add3A_506, %select_n3A_483 : vector<16xi1>, vector<16xi32>
      %select_n3A_538 = arith.select %gt3A_535, %select_n3A_486, %select_n3A_537 : vector<16xi1>, vector<16xi32>
      %max3A_539 = arith.maximumf %get3A_516, %min3A_485 : vector<16xf32>
      %min3A_540 = arith.minimumf %max3A_539, %max3A_487 : vector<16xf32>
      %select_n3A_541 = arith.select %gt3A_535, %add3A_506, %select_n3A_486 : vector<16xi1>, vector<16xi32>
      %max3A_542 = arith.maximumf %get3A_516, %max3A_487 : vector<16xf32>
      %gt3A_543 = arith.cmpf ogt, %get3A_521, %max3A_495 : vector<16xf32>
      %gt3A_544 = arith.cmpf ogt, %get3A_521, %min3A_493 : vector<16xf32>
      %select_n3A_545 = arith.select %gt3A_544, %add3A_506, %select_n3A_491 : vector<16xi1>, vector<16xi32>
      %select_n3A_546 = arith.select %gt3A_543, %select_n3A_494, %select_n3A_545 : vector<16xi1>, vector<16xi32>
      %max3A_547 = arith.maximumf %get3A_521, %min3A_493 : vector<16xf32>
      %min3A_548 = arith.minimumf %max3A_547, %max3A_495 : vector<16xf32>
      %select_n3A_549 = arith.select %gt3A_543, %add3A_506, %select_n3A_494 : vector<16xi1>, vector<16xi32>
      %max3A_550 = arith.maximumf %get3A_521, %max3A_495 : vector<16xf32>
      %gt3A_551 = arith.cmpf ogt, %get3A_526, %max3A_503 : vector<16xf32>
      %gt3A_552 = arith.cmpf ogt, %get3A_526, %min3A_501 : vector<16xf32>
      %select_n3A_553 = arith.select %gt3A_552, %add3A_506, %select_n3A_499 : vector<16xi1>, vector<16xi32>
      %select_n3A_554 = arith.select %gt3A_551, %select_n3A_502, %select_n3A_553 : vector<16xi1>, vector<16xi32>
      %max3A_555 = arith.maximumf %get3A_526, %min3A_501 : vector<16xf32>
      %min3A_556 = arith.minimumf %max3A_555, %max3A_503 : vector<16xf32>
      %select_n3A_557 = arith.select %gt3A_551, %add3A_506, %select_n3A_502 : vector<16xi1>, vector<16xi32>
      %max3A_558 = arith.maximumf %get3A_526, %max3A_503 : vector<16xf32>
      %add3A_559 = arith.constant 10 : i32
      %add3A_560 = vector.broadcast %add3A_559 : i32 to vector<16xi32>
      %add3A_561 = arith.addi %broadcast_in_dim3A_13, %add3A_560 : vector<16xi32>
      %get3A_562 = arith.constant 10 : i32
      %get3A_563 = arith.index_cast %get3A_562 : i32 to index
      %get3A_564 = arith.index_cast %mul3A_10 : i32 to index
      %get3A_565 = tpu.vector_load %arg5[%get3A_563, %get3A_564] {strides = array<i32>} : memref<64x512xf32, #tpu.memory_space<vmem>>, vector<1x16xf32>,
      %get3A_566 = vector.shape_cast %get3A_565 : vector<1x16xf32> to vector<16xf32>
      %get3A_567 = arith.constant 26 : i32
      %get3A_568 = arith.index_cast %get3A_567 : i32 to index
      %get3A_569 = arith.index_cast %mul3A_10 : i32 to index
      %get3A_570 = tpu.vector_load %arg5[%get3A_568, %get3A_569] {strides = array<i32>} : memref<64x512xf32, #tpu.memory_space<vmem>>, vector<1x16xf32>,
      %get3A_571 = vector.shape_cast %get3A_570 : vector<1x16xf32> to vector<16xf32>
      %get3A_572 = arith.constant 42 : i32
      %get3A_573 = arith.index_cast %get3A_572 : i32 to index
      %get3A_574 = arith.index_cast %mul3A_10 : i32 to index
      %get3A_575 = tpu.vector_load %arg5[%get3A_573, %get3A_574] {strides = array<i32>} : memref<64x512xf32, #tpu.memory_space<vmem>>, vector<1x16xf32>,
      %get3A_576 = vector.shape_cast %get3A_575 : vector<1x16xf32> to vector<16xf32>
      %get3A_577 = arith.constant 58 : i32
      %get3A_578 = arith.index_cast %get3A_577 : i32 to index
      %get3A_579 = arith.index_cast %mul3A_10 : i32 to index
      %get3A_580 = tpu.vector_load %arg5[%get3A_578, %get3A_579] {strides = array<i32>} : memref<64x512xf32, #tpu.memory_space<vmem>>, vector<1x16xf32>,
      %get3A_581 = vector.shape_cast %get3A_580 : vector<1x16xf32> to vector<16xf32>
      %gt3A_582 = arith.cmpf ogt, %get3A_566, %max3A_534 : vector<16xf32>
      %gt3A_583 = arith.cmpf ogt, %get3A_566, %min3A_532 : vector<16xf32>
      %select_n3A_584 = arith.select %gt3A_583, %add3A_561, %select_n3A_530 : vector<16xi1>, vector<16xi32>
      %select_n3A_585 = arith.select %gt3A_582, %select_n3A_533, %select_n3A_584 : vector<16xi1>, vector<16xi32>
      %max3A_586 = arith.maximumf %get3A_566, %min3A_532 : vector<16xf32>
      %min3A_587 = arith.minimumf %max3A_586, %max3A_534 : vector<16xf32>
      %select_n3A_588 = arith.select %gt3A_582, %add3A_561, %select_n3A_533 : vector<16xi1>, vector<16xi32>
      %max3A_589 = arith.maximumf %get3A_566, %max3A_534 : vector<16xf32>
      %gt3A_590 = arith.cmpf ogt, %get3A_571, %max3A_542 : vector<16xf32>
      %gt3A_591 = arith.cmpf ogt, %get3A_571, %min3A_540 : vector<16xf32>
      %select_n3A_592 = arith.select %gt3A_591, %add3A_561, %select_n3A_538 : vector<16xi1>, vector<16xi32>
      %select_n3A_593 = arith.select %gt3A_590, %select_n3A_541, %select_n3A_592 : vector<16xi1>, vector<16xi32>
      %max3A_594 = arith.maximumf %get3A_571, %min3A_540 : vector<16xf32>
      %min3A_595 = arith.minimumf %max3A_594, %max3A_542 : vector<16xf32>
      %select_n3A_596 = arith.select %gt3A_590, %add3A_561, %select_n3A_541 : vector<16xi1>, vector<16xi32>
      %max3A_597 = arith.maximumf %get3A_571, %max3A_542 : vector<16xf32>
      %gt3A_598 = arith.cmpf ogt, %get3A_576, %max3A_550 : vector<16xf32>
      %gt3A_599 = arith.cmpf ogt, %get3A_576, %min3A_548 : vector<16xf32>
      %select_n3A_600 = arith.select %gt3A_599, %add3A_561, %select_n3A_546 : vector<16xi1>, vector<16xi32>
      %select_n3A_601 = arith.select %gt3A_598, %select_n3A_549, %select_n3A_600 : vector<16xi1>, vector<16xi32>
      %max3A_602 = arith.maximumf %get3A_576, %min3A_548 : vector<16xf32>
      %min3A_603 = arith.minimumf %max3A_602, %max3A_550 : vector<16xf32>
      %select_n3A_604 = arith.select %gt3A_598, %add3A_561, %select_n3A_549 : vector<16xi1>, vector<16xi32>
      %max3A_605 = arith.maximumf %get3A_576, %max3A_550 : vector<16xf32>
      %gt3A_606 = arith.cmpf ogt, %get3A_581, %max3A_558 : vector<16xf32>
      %gt3A_607 = arith.cmpf ogt, %get3A_581, %min3A_556 : vector<16xf32>
      %select_n3A_608 = arith.select %gt3A_607, %add3A_561, %select_n3A_554 : vector<16xi1>, vector<16xi32>
      %select_n3A_609 = arith.select %gt3A_606, %select_n3A_557, %select_n3A_608 : vector<16xi1>, vector<16xi32>
      %max3A_610 = arith.maximumf %get3A_581, %min3A_556 : vector<16xf32>
      %min3A_611 = arith.minimumf %max3A_610, %max3A_558 : vector<16xf32>
      %select_n3A_612 = arith.select %gt3A_606, %add3A_561, %select_n3A_557 : vector<16xi1>, vector<16xi32>
      %max3A_613 = arith.maximumf %get3A_581, %max3A_558 : vector<16xf32>
      %add3A_614 = arith.constant 11 : i32
      %add3A_615 = vector.broadcast %add3A_614 : i32 to vector<16xi32>
      %add3A_616 = arith.addi %broadcast_in_dim3A_13, %add3A_615 : vector<16xi32>
      %get3A_617 = arith.constant 11 : i32
      %get3A_618 = arith.index_cast %get3A_617 : i32 to index
      %get3A_619 = arith.index_cast %mul3A_10 : i32 to index
      %get3A_620 = tpu.vector_load %arg5[%get3A_618, %get3A_619] {strides = array<i32>} : memref<64x512xf32, #tpu.memory_space<vmem>>, vector<1x16xf32>,
      %get3A_621 = vector.shape_cast %get3A_620 : vector<1x16xf32> to vector<16xf32>
      %get3A_622 = arith.constant 27 : i32
      %get3A_623 = arith.index_cast %get3A_622 : i32 to index
      %get3A_624 = arith.index_cast %mul3A_10 : i32 to index
      %get3A_625 = tpu.vector_load %arg5[%get3A_623, %get3A_624] {strides = array<i32>} : memref<64x512xf32, #tpu.memory_space<vmem>>, vector<1x16xf32>,
      %get3A_626 = vector.shape_cast %get3A_625 : vector<1x16xf32> to vector<16xf32>
      %get3A_627 = arith.constant 43 : i32
      %get3A_628 = arith.index_cast %get3A_627 : i32 to index
      %get3A_629 = arith.index_cast %mul3A_10 : i32 to index
      %get3A_630 = tpu.vector_load %arg5[%get3A_628, %get3A_629] {strides = array<i32>} : memref<64x512xf32, #tpu.memory_space<vmem>>, vector<1x16xf32>,
      %get3A_631 = vector.shape_cast %get3A_630 : vector<1x16xf32> to vector<16xf32>
      %get3A_632 = arith.constant 59 : i32
      %get3A_633 = arith.index_cast %get3A_632 : i32 to index
      %get3A_634 = arith.index_cast %mul3A_10 : i32 to index
      %get3A_635 = tpu.vector_load %arg5[%get3A_633, %get3A_634] {strides = array<i32>} : memref<64x512xf32, #tpu.memory_space<vmem>>, vector<1x16xf32>,
      %get3A_636 = vector.shape_cast %get3A_635 : vector<1x16xf32> to vector<16xf32>
      %gt3A_637 = arith.cmpf ogt, %get3A_621, %max3A_589 : vector<16xf32>
      %gt3A_638 = arith.cmpf ogt, %get3A_621, %min3A_587 : vector<16xf32>
      %select_n3A_639 = arith.select %gt3A_638, %add3A_616, %select_n3A_585 : vector<16xi1>, vector<16xi32>
      %select_n3A_640 = arith.select %gt3A_637, %select_n3A_588, %select_n3A_639 : vector<16xi1>, vector<16xi32>
      %max3A_641 = arith.maximumf %get3A_621, %min3A_587 : vector<16xf32>
      %min3A_642 = arith.minimumf %max3A_641, %max3A_589 : vector<16xf32>
      %select_n3A_643 = arith.select %gt3A_637, %add3A_616, %select_n3A_588 : vector<16xi1>, vector<16xi32>
      %max3A_644 = arith.maximumf %get3A_621, %max3A_589 : vector<16xf32>
      %gt3A_645 = arith.cmpf ogt, %get3A_626, %max3A_597 : vector<16xf32>
      %gt3A_646 = arith.cmpf ogt, %get3A_626, %min3A_595 : vector<16xf32>
      %select_n3A_647 = arith.select %gt3A_646, %add3A_616, %select_n3A_593 : vector<16xi1>, vector<16xi32>
      %select_n3A_648 = arith.select %gt3A_645, %select_n3A_596, %select_n3A_647 : vector<16xi1>, vector<16xi32>
      %max3A_649 = arith.maximumf %get3A_626, %min3A_595 : vector<16xf32>
      %min3A_650 = arith.minimumf %max3A_649, %max3A_597 : vector<16xf32>
      %select_n3A_651 = arith.select %gt3A_645, %add3A_616, %select_n3A_596 : vector<16xi1>, vector<16xi32>
      %max3A_652 = arith.maximumf %get3A_626, %max3A_597 : vector<16xf32>
      %gt3A_653 = arith.cmpf ogt, %get3A_631, %max3A_605 : vector<16xf32>
      %gt3A_654 = arith.cmpf ogt, %get3A_631, %min3A_603 : vector<16xf32>
      %select_n3A_655 = arith.select %gt3A_654, %add3A_616, %select_n3A_601 : vector<16xi1>, vector<16xi32>
      %select_n3A_656 = arith.select %gt3A_653, %select_n3A_604, %select_n3A_655 : vector<16xi1>, vector<16xi32>
      %max3A_657 = arith.maximumf %get3A_631, %min3A_603 : vector<16xf32>
      %min3A_658 = arith.minimumf %max3A_657, %max3A_605 : vector<16xf32>
      %select_n3A_659 = arith.select %gt3A_653, %add3A_616, %select_n3A_604 : vector<16xi1>, vector<16xi32>
      %max3A_660 = arith.maximumf %get3A_631, %max3A_605 : vector<16xf32>
      %gt3A_661 = arith.cmpf ogt, %get3A_636, %max3A_613 : vector<16xf32>
      %gt3A_662 = arith.cmpf ogt, %get3A_636, %min3A_611 : vector<16xf32>
      %select_n3A_663 = arith.select %gt3A_662, %add3A_616, %select_n3A_609 : vector<16xi1>, vector<16xi32>
      %select_n3A_664 = arith.select %gt3A_661, %select_n3A_612, %select_n3A_663 : vector<16xi1>, vector<16xi32>
      %max3A_665 = arith.maximumf %get3A_636, %min3A_611 : vector<16xf32>
      %min3A_666 = arith.minimumf %max3A_665, %max3A_613 : vector<16xf32>
      %select_n3A_667 = arith.select %gt3A_661, %add3A_616, %select_n3A_612 : vector<16xi1>, vector<16xi32>
      %max3A_668 = arith.maximumf %get3A_636, %max3A_613 : vector<16xf32>
      %add3A_669 = arith.constant 12 : i32
      %add3A_670 = vector.broadcast %add3A_669 : i32 to vector<16xi32>
      %add3A_671 = arith.addi %broadcast_in_dim3A_13, %add3A_670 : vector<16xi32>
      %get3A_672 = arith.constant 12 : i32
      %get3A_673 = arith.index_cast %get3A_672 : i32 to index
      %get3A_674 = arith.index_cast %mul3A_10 : i32 to index
      %get3A_675 = tpu.vector_load %arg5[%get3A_673, %get3A_674] {strides = array<i32>} : memref<64x512xf32, #tpu.memory_space<vmem>>, vector<1x16xf32>,
      %get3A_676 = vector.shape_cast %get3A_675 : vector<1x16xf32> to vector<16xf32>
      %get3A_677 = arith.constant 28 : i32
      %get3A_678 = arith.index_cast %get3A_677 : i32 to index
      %get3A_679 = arith.index_cast %mul3A_10 : i32 to index
      %get3A_680 = tpu.vector_load %arg5[%get3A_678, %get3A_679] {strides = array<i32>} : memref<64x512xf32, #tpu.memory_space<vmem>>, vector<1x16xf32>,
      %get3A_681 = vector.shape_cast %get3A_680 : vector<1x16xf32> to vector<16xf32>
      %get3A_682 = arith.constant 44 : i32
      %get3A_683 = arith.index_cast %get3A_682 : i32 to index
      %get3A_684 = arith.index_cast %mul3A_10 : i32 to index
      %get3A_685 = tpu.vector_load %arg5[%get3A_683, %get3A_684] {strides = array<i32>} : memref<64x512xf32, #tpu.memory_space<vmem>>, vector<1x16xf32>,
      %get3A_686 = vector.shape_cast %get3A_685 : vector<1x16xf32> to vector<16xf32>
      %get3A_687 = arith.constant 60 : i32
      %get3A_688 = arith.index_cast %get3A_687 : i32 to index
      %get3A_689 = arith.index_cast %mul3A_10 : i32 to index
      %get3A_690 = tpu.vector_load %arg5[%get3A_688, %get3A_689] {strides = array<i32>} : memref<64x512xf32, #tpu.memory_space<vmem>>, vector<1x16xf32>,
      %get3A_691 = vector.shape_cast %get3A_690 : vector<1x16xf32> to vector<16xf32>
      %gt3A_692 = arith.cmpf ogt, %get3A_676, %max3A_644 : vector<16xf32>
      %gt3A_693 = arith.cmpf ogt, %get3A_676, %min3A_642 : vector<16xf32>
      %select_n3A_694 = arith.select %gt3A_693, %add3A_671, %select_n3A_640 : vector<16xi1>, vector<16xi32>
      %select_n3A_695 = arith.select %gt3A_692, %select_n3A_643, %select_n3A_694 : vector<16xi1>, vector<16xi32>
      %max3A_696 = arith.maximumf %get3A_676, %min3A_642 : vector<16xf32>
      %min3A_697 = arith.minimumf %max3A_696, %max3A_644 : vector<16xf32>
      %select_n3A_698 = arith.select %gt3A_692, %add3A_671, %select_n3A_643 : vector<16xi1>, vector<16xi32>
      %max3A_699 = arith.maximumf %get3A_676, %max3A_644 : vector<16xf32>
      %gt3A_700 = arith.cmpf ogt, %get3A_681, %max3A_652 : vector<16xf32>
      %gt3A_701 = arith.cmpf ogt, %get3A_681, %min3A_650 : vector<16xf32>
      %select_n3A_702 = arith.select %gt3A_701, %add3A_671, %select_n3A_648 : vector<16xi1>, vector<16xi32>
      %select_n3A_703 = arith.select %gt3A_700, %select_n3A_651, %select_n3A_702 : vector<16xi1>, vector<16xi32>
      %max3A_704 = arith.maximumf %get3A_681, %min3A_650 : vector<16xf32>
      %min3A_705 = arith.minimumf %max3A_704, %max3A_652 : vector<16xf32>
      %select_n3A_706 = arith.select %gt3A_700, %add3A_671, %select_n3A_651 : vector<16xi1>, vector<16xi32>
      %max3A_707 = arith.maximumf %get3A_681, %max3A_652 : vector<16xf32>
      %gt3A_708 = arith.cmpf ogt, %get3A_686, %max3A_660 : vector<16xf32>
      %gt3A_709 = arith.cmpf ogt, %get3A_686, %min3A_658 : vector<16xf32>
      %select_n3A_710 = arith.select %gt3A_709, %add3A_671, %select_n3A_656 : vector<16xi1>, vector<16xi32>
      %select_n3A_711 = arith.select %gt3A_708, %select_n3A_659, %select_n3A_710 : vector<16xi1>, vector<16xi32>
      %max3A_712 = arith.maximumf %get3A_686, %min3A_658 : vector<16xf32>
      %min3A_713 = arith.minimumf %max3A_712, %max3A_660 : vector<16xf32>
      %select_n3A_714 = arith.select %gt3A_708, %add3A_671, %select_n3A_659 : vector<16xi1>, vector<16xi32>
      %max3A_715 = arith.maximumf %get3A_686, %max3A_660 : vector<16xf32>
      %gt3A_716 = arith.cmpf ogt, %get3A_691, %max3A_668 : vector<16xf32>
      %gt3A_717 = arith.cmpf ogt, %get3A_691, %min3A_666 : vector<16xf32>
      %select_n3A_718 = arith.select %gt3A_717, %add3A_671, %select_n3A_664 : vector<16xi1>, vector<16xi32>
      %select_n3A_719 = arith.select %gt3A_716, %select_n3A_667, %select_n3A_718 : vector<16xi1>, vector<16xi32>
      %max3A_720 = arith.maximumf %get3A_691, %min3A_666 : vector<16xf32>
      %min3A_721 = arith.minimumf %max3A_720, %max3A_668 : vector<16xf32>
      %select_n3A_722 = arith.select %gt3A_716, %add3A_671, %select_n3A_667 : vector<16xi1>, vector<16xi32>
      %max3A_723 = arith.maximumf %get3A_691, %max3A_668 : vector<16xf32>
      %add3A_724 = arith.constant 13 : i32
      %add3A_725 = vector.broadcast %add3A_724 : i32 to vector<16xi32>
      %add3A_726 = arith.addi %broadcast_in_dim3A_13, %add3A_725 : vector<16xi32>
      %get3A_727 = arith.constant 13 : i32
      %get3A_728 = arith.index_cast %get3A_727 : i32 to index
      %get3A_729 = arith.index_cast %mul3A_10 : i32 to index
      %get3A_730 = tpu.vector_load %arg5[%get3A_728, %get3A_729] {strides = array<i32>} : memref<64x512xf32, #tpu.memory_space<vmem>>, vector<1x16xf32>,
      %get3A_731 = vector.shape_cast %get3A_730 : vector<1x16xf32> to vector<16xf32>
      %get3A_732 = arith.constant 29 : i32
      %get3A_733 = arith.index_cast %get3A_732 : i32 to index
      %get3A_734 = arith.index_cast %mul3A_10 : i32 to index
      %get3A_735 = tpu.vector_load %arg5[%get3A_733, %get3A_734] {strides = array<i32>} : memref<64x512xf32, #tpu.memory_space<vmem>>, vector<1x16xf32>,
      %get3A_736 = vector.shape_cast %get3A_735 : vector<1x16xf32> to vector<16xf32>
      %get3A_737 = arith.constant 45 : i32
      %get3A_738 = arith.index_cast %get3A_737 : i32 to index
      %get3A_739 = arith.index_cast %mul3A_10 : i32 to index
      %get3A_740 = tpu.vector_load %arg5[%get3A_738, %get3A_739] {strides = array<i32>} : memref<64x512xf32, #tpu.memory_space<vmem>>, vector<1x16xf32>,
      %get3A_741 = vector.shape_cast %get3A_740 : vector<1x16xf32> to vector<16xf32>
      %get3A_742 = arith.constant 61 : i32
      %get3A_743 = arith.index_cast %get3A_742 : i32 to index
      %get3A_744 = arith.index_cast %mul3A_10 : i32 to index
      %get3A_745 = tpu.vector_load %arg5[%get3A_743, %get3A_744] {strides = array<i32>} : memref<64x512xf32, #tpu.memory_space<vmem>>, vector<1x16xf32>,
      %get3A_746 = vector.shape_cast %get3A_745 : vector<1x16xf32> to vector<16xf32>
      %gt3A_747 = arith.cmpf ogt, %get3A_731, %max3A_699 : vector<16xf32>
      %gt3A_748 = arith.cmpf ogt, %get3A_731, %min3A_697 : vector<16xf32>
      %select_n3A_749 = arith.select %gt3A_748, %add3A_726, %select_n3A_695 : vector<16xi1>, vector<16xi32>
      %select_n3A_750 = arith.select %gt3A_747, %select_n3A_698, %select_n3A_749 : vector<16xi1>, vector<16xi32>
      %max3A_751 = arith.maximumf %get3A_731, %min3A_697 : vector<16xf32>
      %min3A_752 = arith.minimumf %max3A_751, %max3A_699 : vector<16xf32>
      %select_n3A_753 = arith.select %gt3A_747, %add3A_726, %select_n3A_698 : vector<16xi1>, vector<16xi32>
      %max3A_754 = arith.maximumf %get3A_731, %max3A_699 : vector<16xf32>
      %gt3A_755 = arith.cmpf ogt, %get3A_736, %max3A_707 : vector<16xf32>
      %gt3A_756 = arith.cmpf ogt, %get3A_736, %min3A_705 : vector<16xf32>
      %select_n3A_757 = arith.select %gt3A_756, %add3A_726, %select_n3A_703 : vector<16xi1>, vector<16xi32>
      %select_n3A_758 = arith.select %gt3A_755, %select_n3A_706, %select_n3A_757 : vector<16xi1>, vector<16xi32>
      %max3A_759 = arith.maximumf %get3A_736, %min3A_705 : vector<16xf32>
      %min3A_760 = arith.minimumf %max3A_759, %max3A_707 : vector<16xf32>
      %select_n3A_761 = arith.select %gt3A_755, %add3A_726, %select_n3A_706 : vector<16xi1>, vector<16xi32>
      %max3A_762 = arith.maximumf %get3A_736, %max3A_707 : vector<16xf32>
      %gt3A_763 = arith.cmpf ogt, %get3A_741, %max3A_715 : vector<16xf32>
      %gt3A_764 = arith.cmpf ogt, %get3A_741, %min3A_713 : vector<16xf32>
      %select_n3A_765 = arith.select %gt3A_764, %add3A_726, %select_n3A_711 : vector<16xi1>, vector<16xi32>
      %select_n3A_766 = arith.select %gt3A_763, %select_n3A_714, %select_n3A_765 : vector<16xi1>, vector<16xi32>
      %max3A_767 = arith.maximumf %get3A_741, %min3A_713 : vector<16xf32>
      %min3A_768 = arith.minimumf %max3A_767, %max3A_715 : vector<16xf32>
      %select_n3A_769 = arith.select %gt3A_763, %add3A_726, %select_n3A_714 : vector<16xi1>, vector<16xi32>
      %max3A_770 = arith.maximumf %get3A_741, %max3A_715 : vector<16xf32>
      %gt3A_771 = arith.cmpf ogt, %get3A_746, %max3A_723 : vector<16xf32>
      %gt3A_772 = arith.cmpf ogt, %get3A_746, %min3A_721 : vector<16xf32>
      %select_n3A_773 = arith.select %gt3A_772, %add3A_726, %select_n3A_719 : vector<16xi1>, vector<16xi32>
      %select_n3A_774 = arith.select %gt3A_771, %select_n3A_722, %select_n3A_773 : vector<16xi1>, vector<16xi32>
      %max3A_775 = arith.maximumf %get3A_746, %min3A_721 : vector<16xf32>
      %min3A_776 = arith.minimumf %max3A_775, %max3A_723 : vector<16xf32>
      %select_n3A_777 = arith.select %gt3A_771, %add3A_726, %select_n3A_722 : vector<16xi1>, vector<16xi32>
      %max3A_778 = arith.maximumf %get3A_746, %max3A_723 : vector<16xf32>
      %add3A_779 = arith.constant 14 : i32
      %add3A_780 = vector.broadcast %add3A_779 : i32 to vector<16xi32>
      %add3A_781 = arith.addi %broadcast_in_dim3A_13, %add3A_780 : vector<16xi32>
      %get3A_782 = arith.constant 14 : i32
      %get3A_783 = arith.index_cast %get3A_782 : i32 to index
      %get3A_784 = arith.index_cast %mul3A_10 : i32 to index
      %get3A_785 = tpu.vector_load %arg5[%get3A_783, %get3A_784] {strides = array<i32>} : memref<64x512xf32, #tpu.memory_space<vmem>>, vector<1x16xf32>,
      %get3A_786 = vector.shape_cast %get3A_785 : vector<1x16xf32> to vector<16xf32>
      %get3A_787 = arith.constant 30 : i32
      %get3A_788 = arith.index_cast %get3A_787 : i32 to index
      %get3A_789 = arith.index_cast %mul3A_10 : i32 to index
      %get3A_790 = tpu.vector_load %arg5[%get3A_788, %get3A_789] {strides = array<i32>} : memref<64x512xf32, #tpu.memory_space<vmem>>, vector<1x16xf32>,
      %get3A_791 = vector.shape_cast %get3A_790 : vector<1x16xf32> to vector<16xf32>
      %get3A_792 = arith.constant 46 : i32
      %get3A_793 = arith.index_cast %get3A_792 : i32 to index
      %get3A_794 = arith.index_cast %mul3A_10 : i32 to index
      %get3A_795 = tpu.vector_load %arg5[%get3A_793, %get3A_794] {strides = array<i32>} : memref<64x512xf32, #tpu.memory_space<vmem>>, vector<1x16xf32>,
      %get3A_796 = vector.shape_cast %get3A_795 : vector<1x16xf32> to vector<16xf32>
      %get3A_797 = arith.constant 62 : i32
      %get3A_798 = arith.index_cast %get3A_797 : i32 to index
      %get3A_799 = arith.index_cast %mul3A_10 : i32 to index
      %get3A_800 = tpu.vector_load %arg5[%get3A_798, %get3A_799] {strides = array<i32>} : memref<64x512xf32, #tpu.memory_space<vmem>>, vector<1x16xf32>,
      %get3A_801 = vector.shape_cast %get3A_800 : vector<1x16xf32> to vector<16xf32>
      %gt3A_802 = arith.cmpf ogt, %get3A_786, %max3A_754 : vector<16xf32>
      %gt3A_803 = arith.cmpf ogt, %get3A_786, %min3A_752 : vector<16xf32>
      %select_n3A_804 = arith.select %gt3A_803, %add3A_781, %select_n3A_750 : vector<16xi1>, vector<16xi32>
      %select_n3A_805 = arith.select %gt3A_802, %select_n3A_753, %select_n3A_804 : vector<16xi1>, vector<16xi32>
      %max3A_806 = arith.maximumf %get3A_786, %min3A_752 : vector<16xf32>
      %min3A_807 = arith.minimumf %max3A_806, %max3A_754 : vector<16xf32>
      %select_n3A_808 = arith.select %gt3A_802, %add3A_781, %select_n3A_753 : vector<16xi1>, vector<16xi32>
      %max3A_809 = arith.maximumf %get3A_786, %max3A_754 : vector<16xf32>
      %gt3A_810 = arith.cmpf ogt, %get3A_791, %max3A_762 : vector<16xf32>
      %gt3A_811 = arith.cmpf ogt, %get3A_791, %min3A_760 : vector<16xf32>
      %select_n3A_812 = arith.select %gt3A_811, %add3A_781, %select_n3A_758 : vector<16xi1>, vector<16xi32>
      %select_n3A_813 = arith.select %gt3A_810, %select_n3A_761, %select_n3A_812 : vector<16xi1>, vector<16xi32>
      %max3A_814 = arith.maximumf %get3A_791, %min3A_760 : vector<16xf32>
      %min3A_815 = arith.minimumf %max3A_814, %max3A_762 : vector<16xf32>
      %select_n3A_816 = arith.select %gt3A_810, %add3A_781, %select_n3A_761 : vector<16xi1>, vector<16xi32>
      %max3A_817 = arith.maximumf %get3A_791, %max3A_762 : vector<16xf32>
      %gt3A_818 = arith.cmpf ogt, %get3A_796, %max3A_770 : vector<16xf32>
      %gt3A_819 = arith.cmpf ogt, %get3A_796, %min3A_768 : vector<16xf32>
      %select_n3A_820 = arith.select %gt3A_819, %add3A_781, %select_n3A_766 : vector<16xi1>, vector<16xi32>
      %select_n3A_821 = arith.select %gt3A_818, %select_n3A_769, %select_n3A_820 : vector<16xi1>, vector<16xi32>
      %max3A_822 = arith.maximumf %get3A_796, %min3A_768 : vector<16xf32>
      %min3A_823 = arith.minimumf %max3A_822, %max3A_770 : vector<16xf32>
      %select_n3A_824 = arith.select %gt3A_818, %add3A_781, %select_n3A_769 : vector<16xi1>, vector<16xi32>
      %max3A_825 = arith.maximumf %get3A_796, %max3A_770 : vector<16xf32>
      %gt3A_826 = arith.cmpf ogt, %get3A_801, %max3A_778 : vector<16xf32>
      %gt3A_827 = arith.cmpf ogt, %get3A_801, %min3A_776 : vector<16xf32>
      %select_n3A_828 = arith.select %gt3A_827, %add3A_781, %select_n3A_774 : vector<16xi1>, vector<16xi32>
      %select_n3A_829 = arith.select %gt3A_826, %select_n3A_777, %select_n3A_828 : vector<16xi1>, vector<16xi32>
      %max3A_830 = arith.maximumf %get3A_801, %min3A_776 : vector<16xf32>
      %min3A_831 = arith.minimumf %max3A_830, %max3A_778 : vector<16xf32>
      %select_n3A_832 = arith.select %gt3A_826, %add3A_781, %select_n3A_777 : vector<16xi1>, vector<16xi32>
      %max3A_833 = arith.maximumf %get3A_801, %max3A_778 : vector<16xf32>
      %add3A_834 = arith.constant 15 : i32
      %add3A_835 = vector.broadcast %add3A_834 : i32 to vector<16xi32>
      %add3A_836 = arith.addi %broadcast_in_dim3A_13, %add3A_835 : vector<16xi32>
      %get3A_837 = arith.constant 15 : i32
      %get3A_838 = arith.index_cast %get3A_837 : i32 to index
      %get3A_839 = arith.index_cast %mul3A_10 : i32 to index
      %get3A_840 = tpu.vector_load %arg5[%get3A_838, %get3A_839] {strides = array<i32>} : memref<64x512xf32, #tpu.memory_space<vmem>>, vector<1x16xf32>,
      %get3A_841 = vector.shape_cast %get3A_840 : vector<1x16xf32> to vector<16xf32>
      %get3A_842 = arith.constant 31 : i32
      %get3A_843 = arith.index_cast %get3A_842 : i32 to index
      %get3A_844 = arith.index_cast %mul3A_10 : i32 to index
      %get3A_845 = tpu.vector_load %arg5[%get3A_843, %get3A_844] {strides = array<i32>} : memref<64x512xf32, #tpu.memory_space<vmem>>, vector<1x16xf32>,
      %get3A_846 = vector.shape_cast %get3A_845 : vector<1x16xf32> to vector<16xf32>
      %get3A_847 = arith.constant 47 : i32
      %get3A_848 = arith.index_cast %get3A_847 : i32 to index
      %get3A_849 = arith.index_cast %mul3A_10 : i32 to index
      %get3A_850 = tpu.vector_load %arg5[%get3A_848, %get3A_849] {strides = array<i32>} : memref<64x512xf32, #tpu.memory_space<vmem>>, vector<1x16xf32>,
      %get3A_851 = vector.shape_cast %get3A_850 : vector<1x16xf32> to vector<16xf32>
      %get3A_852 = arith.constant 63 : i32
      %get3A_853 = arith.index_cast %get3A_852 : i32 to index
      %get3A_854 = arith.index_cast %mul3A_10 : i32 to index
      %get3A_855 = tpu.vector_load %arg5[%get3A_853, %get3A_854] {strides = array<i32>} : memref<64x512xf32, #tpu.memory_space<vmem>>, vector<1x16xf32>,
      %get3A_856 = vector.shape_cast %get3A_855 : vector<1x16xf32> to vector<16xf32>
      %gt3A_857 = arith.cmpf ogt, %get3A_841, %max3A_809 : vector<16xf32>
      %gt3A_858 = arith.cmpf ogt, %get3A_841, %min3A_807 : vector<16xf32>
      %select_n3A_859 = arith.select %gt3A_858, %add3A_836, %select_n3A_805 : vector<16xi1>, vector<16xi32>
      %select_n3A_860 = arith.select %gt3A_857, %select_n3A_808, %select_n3A_859 : vector<16xi1>, vector<16xi32>
      %max3A_861 = arith.maximumf %get3A_841, %min3A_807 : vector<16xf32>
      %min3A_862 = arith.minimumf %max3A_861, %max3A_809 : vector<16xf32>
      %select_n3A_863 = arith.select %gt3A_857, %add3A_836, %select_n3A_808 : vector<16xi1>, vector<16xi32>
      %max3A_864 = arith.maximumf %get3A_841, %max3A_809 : vector<16xf32>
      %gt3A_865 = arith.cmpf ogt, %get3A_846, %max3A_817 : vector<16xf32>
      %gt3A_866 = arith.cmpf ogt, %get3A_846, %min3A_815 : vector<16xf32>
      %select_n3A_867 = arith.select %gt3A_866, %add3A_836, %select_n3A_813 : vector<16xi1>, vector<16xi32>
      %select_n3A_868 = arith.select %gt3A_865, %select_n3A_816, %select_n3A_867 : vector<16xi1>, vector<16xi32>
      %max3A_869 = arith.maximumf %get3A_846, %min3A_815 : vector<16xf32>
      %min3A_870 = arith.minimumf %max3A_869, %max3A_817 : vector<16xf32>
      %select_n3A_871 = arith.select %gt3A_865, %add3A_836, %select_n3A_816 : vector<16xi1>, vector<16xi32>
      %max3A_872 = arith.maximumf %get3A_846, %max3A_817 : vector<16xf32>
      %gt3A_873 = arith.cmpf ogt, %get3A_851, %max3A_825 : vector<16xf32>
      %gt3A_874 = arith.cmpf ogt, %get3A_851, %min3A_823 : vector<16xf32>
      %select_n3A_875 = arith.select %gt3A_874, %add3A_836, %select_n3A_821 : vector<16xi1>, vector<16xi32>
      %select_n3A_876 = arith.select %gt3A_873, %select_n3A_824, %select_n3A_875 : vector<16xi1>, vector<16xi32>
      %max3A_877 = arith.maximumf %get3A_851, %min3A_823 : vector<16xf32>
      %min3A_878 = arith.minimumf %max3A_877, %max3A_825 : vector<16xf32>
      %select_n3A_879 = arith.select %gt3A_873, %add3A_836, %select_n3A_824 : vector<16xi1>, vector<16xi32>
      %max3A_880 = arith.maximumf %get3A_851, %max3A_825 : vector<16xf32>
      %gt3A_881 = arith.cmpf ogt, %get3A_856, %max3A_833 : vector<16xf32>
      %gt3A_882 = arith.cmpf ogt, %get3A_856, %min3A_831 : vector<16xf32>
      %select_n3A_883 = arith.select %gt3A_882, %add3A_836, %select_n3A_829 : vector<16xi1>, vector<16xi32>
      %select_n3A_884 = arith.select %gt3A_881, %select_n3A_832, %select_n3A_883 : vector<16xi1>, vector<16xi32>
      %max3A_885 = arith.maximumf %get3A_856, %min3A_831 : vector<16xf32>
      %min3A_886 = arith.minimumf %max3A_885, %max3A_833 : vector<16xf32>
      %select_n3A_887 = arith.select %gt3A_881, %add3A_836, %select_n3A_832 : vector<16xi1>, vector<16xi32>
      %max3A_888 = arith.maximumf %get3A_856, %max3A_833 : vector<16xf32>
      %add3A_889 = arith.constant 0 : i32
      %add3A_890 = vector.broadcast %add3A_889 : i32 to vector<16xi32>
      %add3A_891 = arith.addi %select_n3A_863, %add3A_890 : vector<16xi32>
      %add3A_892 = arith.constant 0 : i32
      %add3A_893 = vector.broadcast %add3A_892 : i32 to vector<16xi32>
      %add3A_894 = arith.addi %select_n3A_860, %add3A_893 : vector<16xi32>
      %add3A_895 = arith.constant 16 : i32
      %add3A_896 = vector.broadcast %add3A_895 : i32 to vector<16xi32>
      %add3A_897 = arith.addi %select_n3A_871, %add3A_896 : vector<16xi32>
      %add3A_898 = arith.constant 16 : i32
      %add3A_899 = vector.broadcast %add3A_898 : i32 to vector<16xi32>
      %add3A_900 = arith.addi %select_n3A_868, %add3A_899 : vector<16xi32>
      %add3A_901 = arith.constant 32 : i32
      %add3A_902 = vector.broadcast %add3A_901 : i32 to vector<16xi32>
      %add3A_903 = arith.addi %select_n3A_879, %add3A_902 : vector<16xi32>
      %add3A_904 = arith.constant 32 : i32
      %add3A_905 = vector.broadcast %add3A_904 : i32 to vector<16xi32>
      %add3A_906 = arith.addi %select_n3A_876, %add3A_905 : vector<16xi32>
      %add3A_907 = arith.constant 48 : i32
      %add3A_908 = vector.broadcast %add3A_907 : i32 to vector<16xi32>
      %add3A_909 = arith.addi %select_n3A_887, %add3A_908 : vector<16xi32>
      %add3A_910 = arith.constant 48 : i32
      %add3A_911 = vector.broadcast %add3A_910 : i32 to vector<16xi32>
      %add3A_912 = arith.addi %select_n3A_884, %add3A_911 : vector<16xi32>
      %ge3A = arith.cmpf oge, %max3A_864, %max3A_872 : vector<16xf32>
      %select_n3A_913 = arith.select %ge3A, %max3A_864, %max3A_872 : vector<16xi1>, vector<16xf32>
      %select_n3A_914 = arith.select %ge3A, %add3A_891, %add3A_897 : vector<16xi1>, vector<16xi32>
      %select_n3A_915 = arith.select %ge3A, %min3A_862, %max3A_864 : vector<16xi1>, vector<16xf32>
      %select_n3A_916 = arith.select %ge3A, %add3A_894, %add3A_891 : vector<16xi1>, vector<16xi32>
      %select_n3A_917 = arith.select %ge3A, %max3A_872, %min3A_870 : vector<16xi1>, vector<16xf32>
      %select_n3A_918 = arith.select %ge3A, %add3A_897, %add3A_900 : vector<16xi1>, vector<16xi32>
      %ge3A_919 = arith.cmpf oge, %select_n3A_915, %select_n3A_917 : vector<16xf32>
      %select_n3A_920 = arith.select %ge3A_919, %select_n3A_915, %select_n3A_917 : vector<16xi1>, vector<16xf32>
      %select_n3A_921 = arith.select %ge3A_919, %select_n3A_916, %select_n3A_918 : vector<16xi1>, vector<16xi32>
      %ge3A_922 = arith.cmpf oge, %max3A_880, %max3A_888 : vector<16xf32>
      %select_n3A_923 = arith.select %ge3A_922, %max3A_880, %max3A_888 : vector<16xi1>, vector<16xf32>
      %select_n3A_924 = arith.select %ge3A_922, %add3A_903, %add3A_909 : vector<16xi1>, vector<16xi32>
      %select_n3A_925 = arith.select %ge3A_922, %min3A_878, %max3A_880 : vector<16xi1>, vector<16xf32>
      %select_n3A_926 = arith.select %ge3A_922, %add3A_906, %add3A_903 : vector<16xi1>, vector<16xi32>
      %select_n3A_927 = arith.select %ge3A_922, %max3A_888, %min3A_886 : vector<16xi1>, vector<16xf32>
      %select_n3A_928 = arith.select %ge3A_922, %add3A_909, %add3A_912 : vector<16xi1>, vector<16xi32>
      %ge3A_929 = arith.cmpf oge, %select_n3A_925, %select_n3A_927 : vector<16xf32>
      %select_n3A_930 = arith.select %ge3A_929, %select_n3A_925, %select_n3A_927 : vector<16xi1>, vector<16xf32>
      %select_n3A_931 = arith.select %ge3A_929, %select_n3A_926, %select_n3A_928 : vector<16xi1>, vector<16xi32>
      %ge3A_932 = arith.cmpf oge, %select_n3A_913, %select_n3A_923 : vector<16xf32>
      %select_n3A_933 = arith.select %ge3A_932, %select_n3A_913, %select_n3A_923 : vector<16xi1>, vector<16xf32>
      %select_n3A_934 = arith.select %ge3A_932, %select_n3A_914, %select_n3A_924 : vector<16xi1>, vector<16xi32>
      %select_n3A_935 = arith.select %ge3A_932, %select_n3A_920, %select_n3A_913 : vector<16xi1>, vector<16xf32>
      %select_n3A_936 = arith.select %ge3A_932, %select_n3A_921, %select_n3A_914 : vector<16xi1>, vector<16xi32>
      %select_n3A_937 = arith.select %ge3A_932, %select_n3A_923, %select_n3A_930 : vector<16xi1>, vector<16xf32>
      %select_n3A_938 = arith.select %ge3A_932, %select_n3A_924, %select_n3A_931 : vector<16xi1>, vector<16xi32>
      %ge3A_939 = arith.cmpf oge, %select_n3A_935, %select_n3A_937 : vector<16xf32>
      %select_n3A_940 = arith.select %ge3A_939, %select_n3A_935, %select_n3A_937 : vector<16xi1>, vector<16xf32>
      %select_n3A_941 = arith.select %ge3A_939, %select_n3A_936, %select_n3A_938 : vector<16xi1>, vector<16xi32>
      %sub3A = arith.subf %select_n3A_940, %select_n3A_933 : vector<16xf32>
      %exp3A = math.exp %sub3A : vector<16xf32>
      %add3A_942 = arith.constant 1.000000e+00 : f32
      %add3A_943 = vector.broadcast %add3A_942 : f32 to vector<16xf32>
      %add3A_944 = arith.addf %add3A_943, %exp3A : vector<16xf32>
      %swap3A = arith.constant 0 : i32
      %swap3A_945 = arith.index_cast %swap3A : i32 to index
      %swap3A_946 = arith.index_cast %mul3A_10 : i32 to index
      %swap3A_947 = tpu.vector_load %arg6[%swap3A_945, %swap3A_946] {strides = array<i32>} : memref<2x512xi32, #tpu.memory_space<vmem>>, vector<1x16xi32>,
      %swap3A_948 = vector.shape_cast %swap3A_947 : vector<1x16xi32> to vector<16xi32>
      %swap3A_949 = vector.shape_cast %select_n3A_934 : vector<16xi32> to vector<1x16xi32>
      tpu.vector_store %arg6[%swap3A_945, %swap3A_946], %swap3A_949 {strides = array<i32>} : memref<2x512xi32, #tpu.memory_space<vmem>>, vector<1x16xi32>,
      %swap3A_950 = arith.constant 1 : i32
      %swap3A_951 = arith.index_cast %swap3A_950 : i32 to index
      %swap3A_952 = arith.index_cast %mul3A_10 : i32 to index
      %swap3A_953 = tpu.vector_load %arg6[%swap3A_951, %swap3A_952] {strides = array<i32>} : memref<2x512xi32, #tpu.memory_space<vmem>>, vector<1x16xi32>,
      %swap3A_954 = vector.shape_cast %swap3A_953 : vector<1x16xi32> to vector<16xi32>
      %swap3A_955 = vector.shape_cast %select_n3A_941 : vector<16xi32> to vector<1x16xi32>
      tpu.vector_store %arg6[%swap3A_951, %swap3A_952], %swap3A_955 {strides = array<i32>} : memref<2x512xi32, #tpu.memory_space<vmem>>, vector<1x16xi32>,
      %div3A = arith.constant 1.000000e+00 : f32
      %div3A_956 = vector.broadcast %div3A : f32 to vector<16xf32>
      %div3A_957 = arith.divf %div3A_956, %add3A_944 : vector<16xf32>
      %swap3A_958 = arith.constant 0 : i32
      %swap3A_959 = arith.index_cast %swap3A_958 : i32 to index
      %swap3A_960 = arith.index_cast %mul3A_10 : i32 to index
      %swap3A_961 = tpu.vector_load %arg7[%swap3A_959, %swap3A_960] {strides = array<i32>} : memref<2x512xf32, #tpu.memory_space<vmem>>, vector<1x16xf32>,
      %swap3A_962 = vector.shape_cast %swap3A_961 : vector<1x16xf32> to vector<16xf32>
      %swap3A_963 = vector.shape_cast %div3A_957 : vector<16xf32> to vector<1x16xf32>
      tpu.vector_store %arg7[%swap3A_959, %swap3A_960], %swap3A_963 {strides = array<i32>} : memref<2x512xf32, #tpu.memory_space<vmem>>, vector<1x16xf32>,
      %div3A_964 = arith.divf %exp3A, %add3A_944 : vector<16xf32>
      %swap3A_965 = arith.constant 1 : i32
      %swap3A_966 = arith.index_cast %swap3A_965 : i32 to index
      %swap3A_967 = arith.index_cast %mul3A_10 : i32 to index
      %swap3A_968 = tpu.vector_load %arg7[%swap3A_966, %swap3A_967] {strides = array<i32>} : memref<2x512xf32, #tpu.memory_space<vmem>>, vector<1x16xf32>,
      %swap3A_969 = vector.shape_cast %swap3A_968 : vector<1x16xf32> to vector<16xf32>
      %swap3A_970 = vector.shape_cast %div3A_964 : vector<16xf32> to vector<1x16xf32>
      tpu.vector_store %arg7[%swap3A_966, %swap3A_967], %swap3A_970 {strides = array<i32>} : memref<2x512xf32, #tpu.memory_space<vmem>>, vector<1x16xf32>,
    }
    %scan3A_7 = arith.constant 32 : i32
    "tpu.region"() ({
      %run_scoped3A = tpu.sem_alloc : memref<!tpu.dma_semaphore, #tpu.memory_space<semaphore_mem>>
      %dma_start3A = arith.constant 0 : i32
      %dma_start3A_8 = tpu.memref_slice %arg3[%dma_start3A, %mul3A_2] : memref<2x16384xi32, #tpu.memory_space<hbm>> -> memref<2x512xi32, #tpu.memory_space<hbm>>
      %dma_start3A_9 = arith.constant 0 : i32
      %dma_start3A_10 = tpu.memref_slice %arg3[%dma_start3A_9, %mul3A_2] : memref<2x16384xi32, #tpu.memory_space<hbm>> -> memref<2x512xi32, #tpu.memory_space<hbm>>
      tpu.enqueue_dma source(%arg6 : memref<2x512xi32, #tpu.memory_space<vmem>>) target(%dma_start3A_10 : memref<2x512xi32, #tpu.memory_space<hbm>>) target_semaphore(%run_scoped3A : memref<!tpu.dma_semaphore, #tpu.memory_space<semaphore_mem>>)
      %dma_wait3A = arith.constant 0 : i32
      %dma_wait3A_11 = tpu.memref_slice %arg3[%dma_wait3A, %mul3A_2] : memref<2x16384xi32, #tpu.memory_space<hbm>> -> memref<2x512xi32, #tpu.memory_space<hbm>>
      %dma_wait3A_12 = arith.constant 0 : i32
      %dma_wait3A_13 = tpu.memref_slice %arg3[%dma_wait3A_12, %mul3A_2] : memref<2x16384xi32, #tpu.memory_space<hbm>> -> memref<2x512xi32, #tpu.memory_space<hbm>>
      tpu.wait_dma2 semaphore(%run_scoped3A : memref<!tpu.dma_semaphore, #tpu.memory_space<semaphore_mem>>) src(%arg6 : memref<2x512xi32, #tpu.memory_space<vmem>>) dst(%dma_wait3A_13 : memref<2x512xi32, #tpu.memory_space<hbm>>)
      tpu.yield
    }) : () -> ()
    "tpu.region"() ({
      %run_scoped3A = tpu.sem_alloc : memref<!tpu.dma_semaphore, #tpu.memory_space<semaphore_mem>>
      %dma_start3A = arith.constant 0 : i32
      %dma_start3A_8 = tpu.memref_slice %arg4[%dma_start3A, %mul3A_2] : memref<2x16384xf32, #tpu.memory_space<hbm>> -> memref<2x512xf32, #tpu.memory_space<hbm>>
      %dma_start3A_9 = arith.constant 0 : i32
      %dma_start3A_10 = tpu.memref_slice %arg4[%dma_start3A_9, %mul3A_2] : memref<2x16384xf32, #tpu.memory_space<hbm>> -> memref<2x512xf32, #tpu.memory_space<hbm>>
      tpu.enqueue_dma source(%arg7 : memref<2x512xf32, #tpu.memory_space<vmem>>) target(%dma_start3A_10 : memref<2x512xf32, #tpu.memory_space<hbm>>) target_semaphore(%run_scoped3A : memref<!tpu.dma_semaphore, #tpu.memory_space<semaphore_mem>>)
      %dma_wait3A = arith.constant 0 : i32
      %dma_wait3A_11 = tpu.memref_slice %arg4[%dma_wait3A, %mul3A_2] : memref<2x16384xf32, #tpu.memory_space<hbm>> -> memref<2x512xf32, #tpu.memory_space<hbm>>
      %dma_wait3A_12 = arith.constant 0 : i32
      %dma_wait3A_13 = tpu.memref_slice %arg4[%dma_wait3A_12, %mul3A_2] : memref<2x16384xf32, #tpu.memory_space<hbm>> -> memref<2x512xf32, #tpu.memory_space<hbm>>
      tpu.wait_dma2 semaphore(%run_scoped3A : memref<!tpu.dma_semaphore, #tpu.memory_space<semaphore_mem>>) src(%arg7 : memref<2x512xf32, #tpu.memory_space<vmem>>) dst(%dma_wait3A_13 : memref<2x512xf32, #tpu.memory_space<hbm>>)
      tpu.yield
    }) : () -> ()
    return
  }
}

module attributes {stable_mosaic.version = 14 : i64} {
  func.func @_logits_body(%arg0: i32, %arg1: memref<2048x2048xf32, #tpu.memory_space<vmem>>, %arg2: memref<64x2048xf32, #tpu.memory_space<vmem>>, %arg3: memref<4x64x512xf32, #tpu.memory_space<vmem>>) attributes {dimension_semantics = [#tpu.dimension_semantics<arbitrary>], iteration_bounds = array<i64: 8>, scalar_prefetch = 0 : i64, scratch_operands = 0 : i64, tpu.core_type = #tpu.core_type<tc>, window_params = [{transform_indices = @transform_0, window_bounds = array<i64: 2048, 2048>}, {pipeline_mode = #tpu.pipeline_mode<synchronous>, transform_indices = @transform_1, window_bounds = array<i64: 64, 2048>}, {transform_indices = @transform_2, window_bounds = array<i64: 4, 64, 512>}]} {
    %get3A = arith.constant 0 : index
    %get3A_0 = arith.constant 0 : index
    %get3A_1 = vector.load %arg2[%get3A, %get3A_0] : memref<64x2048xf32, #tpu.memory_space<vmem>>, vector<64x2048xf32>
    %get3A_2 = arith.constant 0 : index
    %get3A_3 = arith.constant 0 : index
    %get3A_4 = vector.load %arg1[%get3A_2, %get3A_3] : memref<2048x2048xf32, #tpu.memory_space<vmem>>, vector<512x2048xf32>
    %dot_general3A = arith.constant dense<0.000000e+00> : vector<64x512xf32>
    %dot_general3A_5 = tpu.matmul %get3A_1, %get3A_4, %dot_general3A {dimension_numbers = #tpu.dot_dimension_numbers<[1], [1], [0], [0], [0, 0, 1, 0], [], []>, transpose_lhs_hint = false} : vector<64x2048xf32>, vector<512x2048xf32>, vector<64x512xf32> -> vector<64x512xf32>
    %swap3A = arith.constant 0 : index
    %swap3A_6 = arith.constant 0 : index
    %swap3A_7 = arith.constant 0 : index
    %swap3A_8 = vector.load %arg3[%swap3A, %swap3A_6, %swap3A_7] : memref<4x64x512xf32, #tpu.memory_space<vmem>>, vector<1x64x512xf32>
    %swap3A_9 = vector.shape_cast %swap3A_8 : vector<1x64x512xf32> to vector<64x512xf32>
    %swap3A_10 = vector.shape_cast %dot_general3A_5 : vector<64x512xf32> to vector<1x64x512xf32>
    tpu.vector_store %arg3[%swap3A, %swap3A_6, %swap3A_7], %swap3A_10 {strides = array<i32>} : memref<4x64x512xf32, #tpu.memory_space<vmem>>, vector<1x64x512xf32>,
    %get3A_11 = arith.constant 0 : index
    %get3A_12 = arith.constant 0 : index
    %get3A_13 = vector.load %arg2[%get3A_11, %get3A_12] : memref<64x2048xf32, #tpu.memory_space<vmem>>, vector<64x2048xf32>
    %get3A_14 = arith.constant 512 : index
    %get3A_15 = arith.constant 0 : index
    %get3A_16 = vector.load %arg1[%get3A_14, %get3A_15] : memref<2048x2048xf32, #tpu.memory_space<vmem>>, vector<512x2048xf32>
    %dot_general3A_17 = arith.constant dense<0.000000e+00> : vector<64x512xf32>
    %dot_general3A_18 = tpu.matmul %get3A_13, %get3A_16, %dot_general3A_17 {dimension_numbers = #tpu.dot_dimension_numbers<[1], [1], [0], [0], [0, 0, 1, 0], [], []>, transpose_lhs_hint = false} : vector<64x2048xf32>, vector<512x2048xf32>, vector<64x512xf32> -> vector<64x512xf32>
    %swap3A_19 = arith.constant 1 : index
    %swap3A_20 = arith.constant 0 : index
    %swap3A_21 = arith.constant 0 : index
    %swap3A_22 = vector.load %arg3[%swap3A_19, %swap3A_20, %swap3A_21] : memref<4x64x512xf32, #tpu.memory_space<vmem>>, vector<1x64x512xf32>
    %swap3A_23 = vector.shape_cast %swap3A_22 : vector<1x64x512xf32> to vector<64x512xf32>
    %swap3A_24 = vector.shape_cast %dot_general3A_18 : vector<64x512xf32> to vector<1x64x512xf32>
    tpu.vector_store %arg3[%swap3A_19, %swap3A_20, %swap3A_21], %swap3A_24 {strides = array<i32>} : memref<4x64x512xf32, #tpu.memory_space<vmem>>, vector<1x64x512xf32>,
    %get3A_25 = arith.constant 0 : index
    %get3A_26 = arith.constant 0 : index
    %get3A_27 = vector.load %arg2[%get3A_25, %get3A_26] : memref<64x2048xf32, #tpu.memory_space<vmem>>, vector<64x2048xf32>
    %get3A_28 = arith.constant 1024 : index
    %get3A_29 = arith.constant 0 : index
    %get3A_30 = vector.load %arg1[%get3A_28, %get3A_29] : memref<2048x2048xf32, #tpu.memory_space<vmem>>, vector<512x2048xf32>
    %dot_general3A_31 = arith.constant dense<0.000000e+00> : vector<64x512xf32>
    %dot_general3A_32 = tpu.matmul %get3A_27, %get3A_30, %dot_general3A_31 {dimension_numbers = #tpu.dot_dimension_numbers<[1], [1], [0], [0], [0, 0, 1, 0], [], []>, transpose_lhs_hint = false} : vector<64x2048xf32>, vector<512x2048xf32>, vector<64x512xf32> -> vector<64x512xf32>
    %swap3A_33 = arith.constant 2 : index
    %swap3A_34 = arith.constant 0 : index
    %swap3A_35 = arith.constant 0 : index
    %swap3A_36 = vector.load %arg3[%swap3A_33, %swap3A_34, %swap3A_35] : memref<4x64x512xf32, #tpu.memory_space<vmem>>, vector<1x64x512xf32>
    %swap3A_37 = vector.shape_cast %swap3A_36 : vector<1x64x512xf32> to vector<64x512xf32>
    %swap3A_38 = vector.shape_cast %dot_general3A_32 : vector<64x512xf32> to vector<1x64x512xf32>
    tpu.vector_store %arg3[%swap3A_33, %swap3A_34, %swap3A_35], %swap3A_38 {strides = array<i32>} : memref<4x64x512xf32, #tpu.memory_space<vmem>>, vector<1x64x512xf32>,
    %get3A_39 = arith.constant 0 : index
    %get3A_40 = arith.constant 0 : index
    %get3A_41 = vector.load %arg2[%get3A_39, %get3A_40] : memref<64x2048xf32, #tpu.memory_space<vmem>>, vector<64x2048xf32>
    %get3A_42 = arith.constant 1536 : index
    %get3A_43 = arith.constant 0 : index
    %get3A_44 = vector.load %arg1[%get3A_42, %get3A_43] : memref<2048x2048xf32, #tpu.memory_space<vmem>>, vector<512x2048xf32>
    %dot_general3A_45 = arith.constant dense<0.000000e+00> : vector<64x512xf32>
    %dot_general3A_46 = tpu.matmul %get3A_41, %get3A_44, %dot_general3A_45 {dimension_numbers = #tpu.dot_dimension_numbers<[1], [1], [0], [0], [0, 0, 1, 0], [], []>, transpose_lhs_hint = false} : vector<64x2048xf32>, vector<512x2048xf32>, vector<64x512xf32> -> vector<64x512xf32>
    %swap3A_47 = arith.constant 3 : index
    %swap3A_48 = arith.constant 0 : index
    %swap3A_49 = arith.constant 0 : index
    %swap3A_50 = vector.load %arg3[%swap3A_47, %swap3A_48, %swap3A_49] : memref<4x64x512xf32, #tpu.memory_space<vmem>>, vector<1x64x512xf32>
    %swap3A_51 = vector.shape_cast %swap3A_50 : vector<1x64x512xf32> to vector<64x512xf32>
    %swap3A_52 = vector.shape_cast %dot_general3A_46 : vector<64x512xf32> to vector<1x64x512xf32>
    tpu.vector_store %arg3[%swap3A_47, %swap3A_48, %swap3A_49], %swap3A_52 {strides = array<i32>} : memref<4x64x512xf32, #tpu.memory_space<vmem>>, vector<1x64x512xf32>,
    return
  }
  func.func @transform_0(%arg0: i32) -> (i32, i32) {
    %c0_i32 = arith.constant 0 : i32
    %c0_i32_0 = arith.constant 0 : i32
    return %arg0, %c0_i32 : i32, i32
  }
  func.func @transform_1(%arg0: i32) -> (i32, i32) {
    %c0_i32 = arith.constant 0 : i32
    %c0_i32_0 = arith.constant 0 : i32
    %c0_i32_1 = arith.constant 0 : i32
    return %c0_i32, %c0_i32_0 : i32, i32
  }
  func.func @transform_2(%arg0: i32) -> (i32, i32, i32) {
    %c0_i32 = arith.constant 0 : i32
    %c0_i32_0 = arith.constant 0 : i32
    %c0_i32_1 = arith.constant 0 : i32
    return %arg0, %c0_i32, %c0_i32_0 : i32, i32, i32
  }
}

</mosaic_0001>

<sc_bundles>
// kernel: kernel.4.cloned.1.call-start
scs
__scs_entry_jumppad:
0x0: {  	(pc) =	sbr.rel $0x88, $3  }
0x1: {  	(tag) =	ssettag $0x0;
	lr =	simm.s32 $0x1  }
0x2: {  	[smem:$0x3F9F] =	sst lr;
	_ =	strace $0xD0000000  }
0x3: {  	_ = 	snop  }
0x4: {  	_ = 	snop  }
0x5: {  	_ = 	snop  }
0x6: {  	_ = 	snop  }
0x7: {  	_ = 	snop  }
__scs_overlays_trampoline_lowered:
0x8: {  	[smem:$0x3FAE] =	sst s0  }
0x9: {  	[smem:$0x3FAF] =	sst s1  }
0xa: {  	[smem:$0x3FB0] =	sst s2  }
0xb: {  	[smem:$0x3FB1] =	sst s3  }
0xc: {  	[smem:$0x3FB2] =	sst s4  }
0xd: {  	[smem:$0x3FB3] =	sst s5  }
0xe: {  	[smem:$0x3FB4] =	sst s6  }
0xf: {  	[smem:$0x3FB5] =	sst s7  }
0x10: {  	[smem:$0x3FB6] =	sst s8  }
0x11: {  	[smem:$0x3FB7] =	sst s9;
	s0 =	simm.s32 @!p0 $0x0  }
0x12: {  	s1 =	sld [smem:$0x3F9D];
	s0 =	simm.s32 @p0 $0x1  }
0x13: {  	[smem:$0x3FB8] =	sst s0;
	s0 =	simm.s32 @!p1 $0x0  }
0x14: {  	s2 =	sld [smem:$0x3F9C];
	s0 =	simm.s32 @p1 $0x1  }
0x15: {  	[smem:$0x3FB9] =	sst s0;
	s0 =	simm.s32 @!p2 $0x0  }
0x16: {  	s3 =	sld [smem:$0x3FDB];
	s0 =	simm.s32 @p2 $0x1  }
0x17: {  	s4 =	simm.s32 $0x1BF5;
	[smem:$0x3FBB] =	sst s0  }
0x18: {  	s0 =	sld [smem:$0x3F9E];
	_ =	swait.ge [sflag:s4], $0x0  }
0x19: {  	s7 =	sld [smem:$0x3F9F]  }
0x1a: {  	s8 =	sadd.s32 $0xFFFFE003, lr  }
0x1b: {  	s9 =	sadd.s32 $0xFFFFFEF7, lr;
	s5 =	simm.s32 $0xFFFFFFFF;
	p2 =	slt.u32 s8, $0xFFFFF086  }
0x1c: {  	p1 =	slt.u32 s9, $0xF7A;
	s5 =	simm.s32 @!p2 $0x0  }
0x1d: {  	s5 =	simm.s32 @p1 $0x1;
	p0 =	seq.s32 s7, s2  }
0x1e: {  	s7 =	smul.u32 @!p0 $0xF7A, s2;
	p2 =	seq.s32 @!p0 s5, $0x0  }
0x1f: {  	s9 =	smul.u32 $0xF7A, s1;
	s8 =	simm.s32 @!p0 $0x1BF5;
	p2 =	por !p2, p0  }
0x20: {  	[sflag:s8] =	ssyncset.s32 @!p0 $0xFFFFF086;
	s6 =	sadd.s32 @!p0 s3, s7;
	s7 =	simm.s32 @!p0 $0x108  }
0x21: {  	s3 =	sadd.s32 s3, s9;
	s6 =	sadd.s32 @!p0 $0x88, s6;
	s7 =	simm.s32 @p2 $0x1082  }
0x22: {  	[simem:s7], [sflag:s8] =	dma.local @!p0 [hbm:s6], $0xF7A  }
0x23: {  	s9 =	sor.u32 $0xD0000000, s2;
	s6 =	simm.s32 $0x108;
	_ =	swait.ge @!p0 [sflag:s8], $0x0  }
0x24: {  	s3 =	sadd.s32 $0x88, s3;
	s6 =	simm.s32 @!p1 $0x1082;
	[sflag:s4] =	ssyncset.s32 $0xFFFFF086  }
0x25: {  	[simem:s6], [sflag:s4] =	dma.local [hbm:s3], $0xF7A  }
0x26: {  	[smem:$0x3F9F] =	sst s1;
	(tag) =	ssettag s2;
	_ =	strace s9  }
0x27: {  	s1 =	sld [smem:$0x3FAF]  }
0x28: {  	s2 =	sld [smem:$0x3FB0]  }
0x29: {  	s4 =	sld [smem:$0x3FB2]  }
0x2a: {  	p0 =	seq.s32 s5, $0x0;
	s5 =	sld [smem:$0x3FB3]  }
0x2b: {  	s6 =	sld [smem:$0x3FB4]  }
0x2c: {  	s7 =	sld [smem:$0x3FB5]  }
0x2d: {  	s3 =	simm.s32 $0x108;
	s8 =	sld [smem:$0x3FB6]  }
0x2e: {  	s3 =	simm.s32 @!p0 $0x1082;
	s9 =	sld [smem:$0x3FB7]  }
0x2f: {  	lr =	sadd.s32 s0, s3;
	s0 =	sld [smem:$0x3FAE]  }
0x30: {  	s3 =	sld [smem:$0x3FB1]  }
0x31: {  	[smem:$0x3FBA] =	sst s10  }
0x32: {  	s10 =	sld [smem:$0x3FB8];
	_ =	sdelay $0x3  }
0x33: {  	p0 =	seq.s32 s10, $0x1;
	s10 =	sld [smem:$0x3FBA];
	_ =	sdelay $0x3  }
0x34: {  	[smem:$0x3FBA] =	sst s10  }
0x35: {  	s10 =	sld [smem:$0x3FB9];
	_ =	sdelay $0x3  }
0x36: {  	p1 =	seq.s32 s10, $0x1;
	s10 =	sld [smem:$0x3FBA];
	_ =	sdelay $0x3  }
0x37: {  	[smem:$0x3FBA] =	sst s10  }
0x38: {  	s10 =	sld [smem:$0x3FBB]  }
0x39: {  	_ = 	snop;
	(pc) =	sbr.ind lr, $3  }
0x3a: {  	_ = 	snop  }
0x3b: {  	_ = 	snop  }
0x3c: {  	p2 =	seq.s32 s10, $0x1;
	s10 =	sld [smem:$0x3FBA]  }
0x3d: {  	_ =	shalt  }
0x3e: {  	_ =	shalt  }
0x3f: {  	_ =	shalt  }
0x40: {  	_ =	shalt  }
0x41: {  	_ =	shalt  }
0x42: {  	_ =	shalt  }
0x43: {  	_ =	shalt  }
0x44: {  	_ =	shalt  }
0x45: {  	_ =	shalt  }
0x46: {  	_ =	shalt  }
0x47: {  	_ =	shalt  }
0x48: {  	_ =	shalt  }
0x49: {  	_ =	shalt  }
0x4a: {  	_ =	shalt  }
0x4b: {  	_ =	shalt  }
0x4c: {  	_ =	shalt  }
0x4d: {  	_ =	shalt  }
0x4e: {  	_ =	shalt  }
0x4f: {  	_ =	shalt  }
0x50: {  	_ =	shalt  }
0x51: {  	_ =	shalt  }
0x52: {  	_ =	shalt  }
0x53: {  	_ =	shalt  }
0x54: {  	_ =	shalt  }
0x55: {  	_ =	shalt  }
0x56: {  	_ =	shalt  }
0x57: {  	_ =	shalt  }
0x58: {  	_ =	shalt  }
0x59: {  	_ =	shalt  }
0x5a: {  	_ =	shalt  }
0x5b: {  	_ =	shalt  }
0x5c: {  	_ =	shalt  }
0x5d: {  	_ =	shalt  }
0x5e: {  	_ =	shalt  }
0x5f: {  	_ =	shalt  }
0x60: {  	_ =	shalt  }
0x61: {  	_ =	shalt  }
0x62: {  	_ =	shalt  }
0x63: {  	_ =	shalt  }
0x64: {  	_ =	shalt  }
0x65: {  	_ =	shalt  }
0x66: {  	_ =	shalt  }
0x67: {  	_ =	shalt  }
0x68: {  	_ =	shalt  }
0x69: {  	_ =	shalt  }
0x6a: {  	_ =	shalt  }
0x6b: {  	_ =	shalt  }
0x6c: {  	_ =	shalt  }
0x6d: {  	_ =	shalt  }
0x6e: {  	_ =	shalt  }
0x6f: {  	_ =	shalt  }
0x70: {  	_ =	shalt  }
0x71: {  	_ =	shalt  }
0x72: {  	_ =	shalt  }
0x73: {  	_ =	shalt  }
0x74: {  	_ =	shalt  }
0x75: {  	_ =	shalt  }
0x76: {  	_ =	shalt  }
0x77: {  	_ =	shalt  }
0x78: {  	_ =	shalt  }
0x79: {  	_ =	shalt  }
0x7a: {  	_ =	shalt  }
0x7b: {  	_ =	shalt  }
0x7c: {  	_ =	shalt  }
0x7d: {  	_ =	shalt  }
0x7e: {  	_ =	shalt  }
0x7f: {  	_ =	shalt  }
0x80: {  	_ =	shalt  }
0x81: {  	_ =	shalt  }
0x82: {  	_ =	shalt  }
0x83: {  	_ =	shalt  }
0x84: {  	_ =	shalt  }
0x85: {  	_ =	shalt  }
0x86: {  	_ =	shalt  }
0x87: {  	_ =	shalt  }
.Lfunc_end0:
.L_simem_size_0:
called_computation_lowered:
.L_overlay_start_0:
0x88: {  	s2 =	sld [smem:$0x3FD9]  }
0x89: {  	s3 =	sld [smem:$0x3FFE];
	_ =	sdelay $0x1  }
0x8a: {  	s1 =	srdreg.scid  }
0x8b: {  	s0 =	sand.u32 $0x1, s1  }
0x8c: {  	s14 =	sshll.u32 s0, $0xA;
	s2 =	sadd.s32 s3, s2  }
0x8d: {  	s2 =	sadd.s32 s2, s14  }
0x8e: {  	[smem:$0x3FC6] =	sst s2  }
0x8f: {  	_ = 	snop  }
0x90: {  	s2 =	sld [smem:$0x3FD0];
	_ =	sdelay $0x2  }
0x91: {  	s15 =	simm.s32 $0xA;
	s4 =	simm.s32 $0x10  }
0x92: {  	[smem:s4], [sflag:s15] =	dma.local [hbm:s2], $0x1  }
0x93: {  	_ =	swait.eq [sflag:s15], $0x1  }
0x94: {  	[sflag:s15] =	ssyncset.done $0x0  }
0x95: {  	s16 =	sld [smem:$0x10];
	[sflag:s15] =	ssyncadd.s32 $0xFFFFFFFF  }
0x96: {  	s17 =	sld [smem:$0x11];
	(tm) =	ssettm $0x1  }
0x97: {  	s18 =	sld [smem:$0x3FFB];
	_ =	sdelay $0x3  }
0x98: {  	_ =	strace s18  }
0x99: {  	s4 =	sld [smem:$0x3FFC];
	_ =	sdelay $0x3  }
0x9a: {  	_ =	strace s4  }
0x9b: {  	s4 =	sld [smem:$0x3FFD];
	_ =	sdelay $0x3  }
0x9c: {  	_ =	strace s4  }
0x9d: {  	_ =	strace $0x8FFFFFFF  }
0x9e: {  	s19 =	sld [smem:$0x3FDB];
	_ =	sdelay $0x1  }
0x9f: {  	s5 =	simm.s32 $_scs_section_size  }
0xa0: {  	s6 =	simm.s32 $_size__tile_overlayer_lowered;
	s7 =	simm.s32 $_tile_overlayer_lowered  }
0xa1: {  	s22 =	simm.s32 $0x1BFF;
	s21 =	sshll.u32 s7, $0x1;
	s4 =	sadd.s32 s5, s19  }
0xa2: {  	s8 =	simm.s32 $0x0;
	s20 =	sshll.u32 s6, $0x1;
	s6 =	sadd.s32 s21, s4  }
0xa3: {  	[timem:s8], [sflag:s22] =	dma.local [hbm:s6], s20  }
0xa4: {  	_ =	swait.ge [sflag:s22], s20  }
0xa5: {  	s5 =	ssub.s32 $0x0, s20;
	[sflag:s22] =	ssyncset.done $0x0  }
0xa6: {  	[sflag:s22] =	ssyncadd.s32 s5;
	_ =	sdelay $0x1  }
0xa7: {  	s23 =	simm.s32 $0x1B8B  }
0xa8: {  	_ =	swait.ge [sflag:s23], $0x1  }
0xa9: {  	[sflag:s23] =	ssyncset.done $0x0  }
0xaa: {  	s25 =	simm.s32 $0x1B8E;
	s24 =	sld [smem:$0x3FFE];
	[sflag:s23] =	ssyncadd.s32 $0xFFFFFFFF  }
0xab: {  	s26 =	simm.s32 $execute0_lowered;
	[smem:$0x3FD2] =	sst s25  }
0xac: {  	s6 =	sshll.u32 s26, $0x1;
	_ =	strace $0x80000046;
	[dreg:$0x1] =	wrdreg $0xFFFFFFFF  }
0xad: {  	s28 =	simm.s32 $_size_execute0_lowered;
	s4 =	sadd.s32 s4, s6;
	[dreg:$0x0] =	wrdreg $0x0  }
0xae: {  	s6 =	sshll.u32 s28, $0x1;
	[dreg:$0x2] =	wrdreg s4  }
0xaf: {  	[dreg:$0x3] =	wrdreg s6  }
0xb0: {  	[dreg:$0x4] =	wrdreg $0xC0  }
0xb1: {  	_ =	task [dreg:s8], $0x5FFFF  }
0xb2: {  	[dreg:$0x1] =	wrdreg $0xFFFFFFFF  }
0xb3: {  	[dreg:$0x0] =	wrdreg $0x60  }
0xb4: {  	[dreg:$0x2] =	wrdreg s24  }
0xb5: {  	[dreg:$0x3] =	wrdreg s16  }
0xb6: {  	[dreg:$0x4] =	wrdreg s17  }
0xb7: {  	[dreg:$0x5] =	wrdreg $0x9  }
0xb8: {  	_ =	task.clear_ibuf [dreg:s8], $0x6FFFF;
	_ =	strace $0x90000046  }
0xb9: {  	s29 =	simm.s32 $0x9;
	_ =	strace $0x80000048  }
0xba: {  	_ =	swait.ge [sflag:s29], $0x1  }
0xbb: {  	[sflag:s29] =	ssyncadd.s32 $0xFFFFFFFF  }
0xbc: {  	_ =	strace $0x90000048  }
0xbd: {  	_ =	sfence  }
0xbe: {  	s30 =	sld [smem:$0x0];
	_ =	sdelay $0x2  }
0xbf: {  	s31 =	sshll.u32 s1, $0xD;
	s1 =	sshrl.u32 s1, $0x2  }
0xc0: {  	s3 =	sand.u32 $0x4000, s31;
	s1 =	sadd.s32 s1, s30  }
0xc1: {  	s0 =	sor.u32 s3, s0;
	s1 =	sshll.u32 s1, $0x11  }
0xc2: {  	s0 =	sor.u32 s1, s0  }
0xc3: {  	s0 =	sadd.s32 $0x8F2B, s0  }
0xc4: {  	[sflag:s0] =	ssyncadd.remote.s32 $0x1  }
0xc5: {  	_ =	sfence.sel $0xFFFF  }
0xc6: {  	[dreg:$0x0] =	wrdreg $0xFFFFFFFF;
	(pc) =	sbr.abs _section_cstart, $3  }
0xc7: {  	[dreg:$0x1] =	wrdreg $0xFFFFFFFF  }
0xc8: {  	_ =	task.clear_ibuf [dreg:s8], $0x2FFFF;
	_ =	strace $0x9FFFFFFF  }
0xc9: {  	(tm) =	ssettm $0x7FFFFFFF  }
tec
execute0_lowered:
.L_overlay_start_1:
0x0: {  	(tag) =	ssettag $0x1  }
0x1: {  	s3 =	rddreg [dreg:$0x0]  }
0x2: {  	s4 =	rddreg [dreg:$0x1]  }
0x3: {  	s5 =	rddreg [dreg:$0x2]  }
0x4: {  	s0 =	rddreg [dreg:$0x3];
	s6 =	srdreg.scid  }
0x5: {  	s1 =	stileid.u32;
	s2 =	simm.s32 $0x0;
	s9 =	simm.s32 $0x8400  }
0x6: {  	s10 =	simm.s32 $0x0;
	s6 =	sand.u32 $0x1, s6;
	s7 =	sshll.u32 s1, $0x1  }
0x7: {  	[smem:$0x7FF] =	sst s2;
	s7 =	sor.u32 s6, s7;
	s6 =	ssub.s32 $0x2, s6  }
0x8: {  	_ =	strace $0x80000047;
	s8 =	sshll.u32 s7, $0xC;
	s31 =	sshrl.u32 s6, $0x1  }
0x9: {  	s7 =	sshll.u32 s7, $0x7;
	s3 =	sadd.s32 s8, s3;
	s6 =	ssub.s32 s6, s31  }
0xa: {  	s4 =	sadd.s32 s4, s7;
	s5 =	sadd.s32 s5, s7;
	s7 =	simm.s32 $0x1  }
0xb: {  	v0 =	vimm.s32 $0x0;
	s8 =	simm.s32 $0x8000;
	s3 =	sadd.s32 $0xC00, s3;
	s6 =	smax.u32 s6, $0x1  }
.LBB2_1:
0xc: {  	[tilespmem:s2], [sflag:$0x1] =	stream.linear.gather [hbm4b:s3+s2], $0x8000, $0x38;
	[tilespmem:$0x8800] =	vst v63  }
0xd: {  	_ =	swait.ge [sflag:s7], $0x8000  }
0xe: {  	[sflag:s7] =	ssyncset.done $0x0  }
0xf: {  	s11 =	simm.s32 $0x0;
	s12 =	simm.s32 $0x0;
	[sflag:s7] =	ssyncadd.s32 $0xFFFF8000  }
.LBB2_2:
0x10: {  	s14 =	sshll.u32 s12, $0x7  }
0x11: {  	s13 =	sand.u32 $0x70, s11;
	s14 =	sand.u32 $0x3FFFFC00, s14  }
0x12: {  	s14 =	sor.u32 s13, s14  }
0x13: {  	v1 =	vld [tilespmem:s14+$0x0]  }
0x14: {  	v2 =	vld [tilespmem:s14+$0x2000]  }
0x15: {  	v3 =	vld [tilespmem:s14+$0x4000]  }
0x16: {  	v4 =	vld [tilespmem:s14+$0x80]  }
0x17: {  	v5 =	vld [tilespmem:s14+$0x6000]  }
0x18: {  	v6 =	vld [tilespmem:s14+$0x2080]  }
0x19: {  	v10 =	vld [tilespmem:s14+$0x4080]  }
0x1a: {  	v13 =	vld [tilespmem:s14+$0x6080];
	_ =	sdelay $0x1  }
0x1b: {  	v1 =	vmax.f32 v1, $-3.000000010e+38;
	v2 =	vmax.f32 v2, $-3.000000010e+38;
	v3 =	vmax.f32 v3, $-3.000000010e+38  }
0x1c: {  	v5 =	vmax.f32 v5, $-3.000000010e+38;
	v7 =	vmin.f32 v1, $-3.000000010e+38;
	v8 =	vmin.f32 v2, $-3.000000010e+38  }
0x1d: {  	v9 =	vmin.f32 v3, $-3.000000010e+38;
	vm0 =	vgt.f32 v4, v1;
	v11 =	vmin.f32 v5, $-3.000000010e+38  }
0x1e: {  	vm5 =	vgt.f32 v6, v2;
	vm8 =	vgt.f32 v10, v3;
	vm11 =	vgt.f32 v13, v5  }
0x1f: {  	vm1 =	vmneg vm0;
	vm2 =	vgt.f32 v4, v7;
	v7 =	vmax.f32 v4, v7  }
0x20: {  	v14 =	vsel vm0, $0x1, v0;
	vm6 =	vmneg vm5;
	vm7 =	vgt.f32 v6, v8  }
0x21: {  	v42 =	vmax.f32 v6, v8;
	v15 =	vsel vm5, $0x1, v0;
	vm9 =	vmneg vm8  }
0x22: {  	vm10 =	vgt.f32 v10, v9;
	v44 =	vmax.f32 v10, v9;
	v17 =	vsel vm8, $0x1, v0  }
0x23: {  	vm12 =	vmneg vm11;
	vm13 =	vgt.f32 v13, v11;
	v46 =	vmax.f32 v13, v11  }
0x24: {  	v16 =	vld [tilespmem:s14+$0x100];
	v19 =	vsel vm11, $0x1, v0;
	vm1 =	vmand vm1, vm2;
	v7 =	vmin.f32 v7, v1  }
0x25: {  	v18 =	vld [tilespmem:s14+$0x2100];
	v1 =	vmax.f32 v4, v1;
	vm0 =	vmand vm6, vm7;
	v4 =	vmin.f32 v42, v2  }
0x26: {  	v20 =	vld [tilespmem:s14+$0x4100];
	v2 =	vmax.f32 v6, v2;
	v6 =	vmin.f32 v44, v3;
	v3 =	vmax.f32 v10, v3  }
0x27: {  	v48 =	vld [tilespmem:s14+$0x6100];
	v10 =	vmin.f32 v46, v5;
	v5 =	vmax.f32 v13, v5;
	v12 =	vsel vm1, $0x1, v0  }
0x28: {  	v43 =	vsel vm0, $0x1, v0;
	vm1 =	vmand vm9, vm10;
	vm0 =	vmand vm12, vm13  }
0x29: {  	vm14 =	vgt.f32 v16, v7;
	vm15 =	vgt.f32 v16, v1;
	v7 =	vmax.f32 v16, v7  }
0x2a: {  	vm4 =	vgt.f32 v18, v4;
	vm5 =	vgt.f32 v18, v2;
	v4 =	vmax.f32 v18, v4  }
0x2b: {  	vm6 =	vgt.f32 v20, v6;
	vm7 =	vgt.f32 v20, v3;
	v6 =	vmax.f32 v20, v6  }
0x2c: {  	vm8 =	vgt.f32 v48, v10;
	vm9 =	vgt.f32 v48, v5;
	v10 =	vmax.f32 v48, v10  }
0x2d: {  	v45 =	vsel vm1, $0x1, v0;
	v47 =	vsel vm0, $0x1, v0;
	v12 =	vsel vm14, $0x2, v12  }
0x2e: {  	v49 =	vld [tilespmem:s14+$0x180];
	v7 =	vmin.f32 v7, v1;
	v8 =	vsel vm4, $0x2, v43;
	v1 =	vmax.f32 v16, v1  }
0x2f: {  	v50 =	vld [tilespmem:s14+$0x2180];
	v4 =	vmin.f32 v4, v2;
	v2 =	vmax.f32 v18, v2;
	v6 =	vmin.f32 v6, v3  }
0x30: {  	v51 =	vld [tilespmem:s14+$0x4180];
	v3 =	vmax.f32 v20, v3;
	v10 =	vmin.f32 v10, v5;
	v5 =	vmax.f32 v48, v5  }
0x31: {  	v52 =	vld [tilespmem:s14+$0x6180];
	v12 =	vsel vm15, v14, v12;
	v14 =	vsel vm15, $0x2, v14;
	v8 =	vsel vm5, v15, v8  }
0x32: {  	v15 =	vsel vm5, $0x2, v15;
	v9 =	vsel vm6, $0x2, v45;
	v11 =	vsel vm8, $0x2, v47  }
0x33: {  	vm10 =	vgt.f32 v49, v7;
	vm11 =	vgt.f32 v49, v1;
	v7 =	vmax.f32 v49, v7  }
0x34: {  	vm12 =	vgt.f32 v50, v4;
	vm13 =	vgt.f32 v50, v2;
	v4 =	vmax.f32 v50, v4  }
0x35: {  	vm14 =	vgt.f32 v51, v6;
	vm15 =	vgt.f32 v51, v3;
	v6 =	vmax.f32 v51, v6  }
0x36: {  	vm4 =	vgt.f32 v52, v10;
	vm5 =	vgt.f32 v52, v5;
	v10 =	vmax.f32 v52, v10  }
0x37: {  	v9 =	vsel vm7, v17, v9;
	v17 =	vsel vm7, $0x2, v17;
	v11 =	vsel vm9, v19, v11  }
0x38: {  	v53 =	vld [tilespmem:s14+$0x200];
	v19 =	vsel vm9, $0x2, v19;
	v12 =	vsel vm10, $0x3, v12;
	v7 =	vmin.f32 v7, v1  }
0x39: {  	v54 =	vld [tilespmem:s14+$0x2200];
	v1 =	vmax.f32 v49, v1;
	v8 =	vsel vm12, $0x3, v8;
	v4 =	vmin.f32 v4, v2  }
0x3a: {  	v55 =	vld [tilespmem:s14+$0x4200];
	v2 =	vmax.f32 v50, v2;
	v6 =	vmin.f32 v6, v3;
	v3 =	vmax.f32 v51, v3  }
0x3b: {  	v56 =	vld [tilespmem:s14+$0x6200];
	v10 =	vmin.f32 v10, v5;
	v5 =	vmax.f32 v52, v5;
	v12 =	vsel vm11, v14, v12  }
0x3c: {  	v14 =	vsel vm11, $0x3, v14;
	v8 =	vsel vm13, v15, v8;
	v15 =	vsel vm13, $0x3, v15  }
0x3d: {  	v9 =	vsel vm14, $0x3, v9;
	v11 =	vsel vm4, $0x3, v11;
	vm6 =	vgt.f32 v53, v7  }
0x3e: {  	vm7 =	vgt.f32 v53, v1;
	v7 =	vmax.f32 v53, v7;
	vm8 =	vgt.f32 v54, v4  }
0x3f: {  	vm9 =	vgt.f32 v54, v2;
	v4 =	vmax.f32 v54, v4;
	vm10 =	vgt.f32 v55, v6  }
0x40: {  	vm11 =	vgt.f32 v55, v3;
	v6 =	vmax.f32 v55, v6;
	vm12 =	vgt.f32 v56, v10  }
0x41: {  	vm13 =	vgt.f32 v56, v5;
	v10 =	vmax.f32 v56, v10;
	v9 =	vsel vm15, v17, v9  }
0x42: {  	v17 =	vsel vm15, $0x3, v17;
	v11 =	vsel vm5, v19, v11;
	v19 =	vsel vm5, $0x3, v19  }
0x43: {  	v57 =	vld [tilespmem:s14+$0x280];
	v12 =	vsel vm6, $0x4, v12;
	v7 =	vmin.f32 v7, v1;
	v8 =	vsel vm8, $0x4, v8  }
0x44: {  	v58 =	vld [tilespmem:s14+$0x2280];
	v1 =	vmax.f32 v53, v1;
	v4 =	vmin.f32 v4, v2;
	v2 =	vmax.f32 v54, v2  }
0x45: {  	v60 =	vld [tilespmem:s14+$0x4280];
	v6 =	vmin.f32 v6, v3;
	v3 =	vmax.f32 v55, v3;
	v10 =	vmin.f32 v10, v5  }
0x46: {  	v61 =	vld [tilespmem:s14+$0x6280];
	v5 =	vmax.f32 v56, v5;
	v12 =	vsel vm7, v14, v12;
	v14 =	vsel vm7, $0x4, v14  }
0x47: {  	v8 =	vsel vm9, v15, v8;
	v15 =	vsel vm9, $0x4, v15;
	v9 =	vsel vm10, $0x4, v9  }
0x48: {  	v11 =	vsel vm12, $0x4, v11;
	vm14 =	vgt.f32 v57, v7;
	v59 =	vsel vm13, $0x4, v19  }
0x49: {  	vm15 =	vgt.f32 v57, v1;
	v7 =	vmax.f32 v57, v7;
	vm4 =	vgt.f32 v58, v4  }
0x4a: {  	vm5 =	vgt.f32 v58, v2;
	v4 =	vmax.f32 v58, v4;
	vm6 =	vgt.f32 v60, v6  }
0x4b: {  	vm7 =	vgt.f32 v60, v3;
	v6 =	vmax.f32 v60, v6;
	vm8 =	vgt.f32 v61, v10  }
0x4c: {  	vm9 =	vgt.f32 v61, v5;
	v10 =	vmax.f32 v61, v10;
	v9 =	vsel vm11, v17, v9  }
0x4d: {  	v17 =	vsel vm11, $0x4, v17;
	v11 =	vsel vm13, v19, v11;
	v12 =	vsel vm14, $0x5, v12  }
0x4e: {  	v62 =	vld [tilespmem:s14+$0x300];
	v7 =	vmin.f32 v7, v1;
	v8 =	vsel vm4, $0x5, v8;
	v1 =	vmax.f32 v57, v1  }
0x4f: {  	v24 =	vld [tilespmem:s14+$0x2300];
	v4 =	vmin.f32 v4, v2;
	v2 =	vmax.f32 v58, v2;
	v6 =	vmin.f32 v6, v3  }
0x50: {  	v25 =	vld [tilespmem:s14+$0x4300];
	v3 =	vmax.f32 v60, v3;
	v10 =	vmin.f32 v10, v5;
	v18 =	vsel vm9, $0x5, v59  }
0x51: {  	v26 =	vld [tilespmem:s14+$0x6300];
	v5 =	vmax.f32 v61, v5;
	v12 =	vsel vm15, v14, v12;
	v14 =	vsel vm15, $0x5, v14  }
0x52: {  	v8 =	vsel vm5, v15, v8;
	v15 =	vsel vm5, $0x5, v15;
	v9 =	vsel vm6, $0x5, v9  }
0x53: {  	v63 =	vsel vm7, $0x5, v17;
	v11 =	vsel vm8, $0x5, v11;
	vm10 =	vgt.f32 v62, v7  }
0x54: {  	vm11 =	vgt.f32 v62, v1;
	v7 =	vmax.f32 v62, v7;
	vm12 =	vgt.f32 v24, v4  }
0x55: {  	vm13 =	vgt.f32 v24, v2;
	v4 =	vmax.f32 v24, v4;
	vm14 =	vgt.f32 v25, v6  }
0x56: {  	vm15 =	vgt.f32 v25, v3;
	v6 =	vmax.f32 v25, v6;
	vm4 =	vgt.f32 v26, v10  }
0x57: {  	vm5 =	vgt.f32 v26, v5;
	v10 =	vmax.f32 v26, v10;
	v9 =	vsel vm7, v17, v9  }
0x58: {  	v11 =	vsel vm9, v59, v11;
	v12 =	vsel vm10, $0x6, v12;
	v7 =	vmin.f32 v7, v1  }
0x59: {  	v28 =	vld [tilespmem:s14+$0x380];
	v1 =	vmax.f32 v62, v1;
	v8 =	vsel vm12, $0x6, v8;
	v4 =	vmin.f32 v4, v2  }
0x5a: {  	v29 =	vld [tilespmem:s14+$0x2380];
	v27 =	vsel vm13, $0x6, v15;
	v2 =	vmax.f32 v24, v2;
	v6 =	vmin.f32 v6, v3  }
0x5b: {  	v30 =	vld [tilespmem:s14+$0x4380];
	v16 =	vsel vm15, $0x6, v63;
	v3 =	vmax.f32 v25, v3;
	v10 =	vmin.f32 v10, v5  }
0x5c: {  	v31 =	vld [tilespmem:s14+$0x6380];
	v5 =	vmax.f32 v26, v5;
	v12 =	vsel vm11, v14, v12;
	v14 =	vsel vm11, $0x6, v14  }
0x5d: {  	v8 =	vsel vm13, v15, v8;
	v9 =	vsel vm14, $0x6, v9;
	v11 =	vsel vm4, $0x6, v11  }
0x5e: {  	vm6 =	vgt.f32 v28, v7;
	vm7 =	vgt.f32 v28, v1;
	v7 =	vmax.f32 v28, v7  }
0x5f: {  	vm8 =	vgt.f32 v29, v4;
	vm9 =	vgt.f32 v29, v2;
	v4 =	vmax.f32 v29, v4  }
0x60: {  	vm10 =	vgt.f32 v30, v6;
	vm11 =	vgt.f32 v30, v3;
	v6 =	vmax.f32 v30, v6  }
0x61: {  	vm12 =	vgt.f32 v31, v10;
	vm13 =	vgt.f32 v31, v5;
	v10 =	vmax.f32 v31, v10  }
0x62: {  	v9 =	vsel vm15, v63, v9;
	v11 =	vsel vm5, v18, v11;
	v18 =	vsel vm5, $0x6, v18  }
0x63: {  	v32 =	vld [tilespmem:s14+$0x1000];
	v12 =	vsel vm6, $0x7, v12;
	v7 =	vmin.f32 v7, v1;
	v8 =	vsel vm8, $0x7, v8  }
0x64: {  	v33 =	vld [tilespmem:s14+$0x3000];
	v1 =	vmax.f32 v28, v1;
	v4 =	vmin.f32 v4, v2;
	v13 =	vsel vm9, $0x7, v27  }
0x65: {  	v34 =	vld [tilespmem:s14+$0x5000];
	v2 =	vmax.f32 v29, v2;
	v6 =	vmin.f32 v6, v3;
	v3 =	vmax.f32 v30, v3  }
0x66: {  	v35 =	vld [tilespmem:s14+$0x7000];
	v10 =	vmin.f32 v10, v5;
	v5 =	vmax.f32 v31, v5;
	v12 =	vsel vm7, v14, v12  }
0x67: {  	v14 =	vsel vm7, $0x7, v14;
	v8 =	vsel vm9, v27, v8;
	v9 =	vsel vm10, $0x7, v9  }
0x68: {  	v11 =	vsel vm12, $0x7, v11;
	vm14 =	vgt.f32 v32, v7;
	vm15 =	vgt.f32 v32, v1  }
0x69: {  	v7 =	vmax.f32 v32, v7;
	vm4 =	vgt.f32 v33, v4;
	vm5 =	vgt.f32 v33, v2  }
0x6a: {  	v4 =	vmax.f32 v33, v4;
	vm6 =	vgt.f32 v34, v6;
	vm7 =	vgt.f32 v34, v3  }
0x6b: {  	v6 =	vmax.f32 v34, v6;
	vm8 =	vgt.f32 v35, v10;
	vm9 =	vgt.f32 v35, v5  }
0x6c: {  	v10 =	vmax.f32 v35, v10;
	v9 =	vsel vm11, v16, v9;
	v16 =	vsel vm11, $0x7, v16  }
0x6d: {  	v11 =	vsel vm13, v18, v11;
	v18 =	vsel vm13, $0x7, v18;
	v12 =	vsel vm14, $0x8, v12  }
0x6e: {  	v36 =	vld [tilespmem:s14+$0x1080];
	v7 =	vmin.f32 v7, v1;
	v8 =	vsel vm4, $0x8, v8;
	v1 =	vmax.f32 v32, v1  }
0x6f: {  	v37 =	vld [tilespmem:s14+$0x3080];
	v4 =	vmin.f32 v4, v2;
	v2 =	vmax.f32 v33, v2;
	v6 =	vmin.f32 v6, v3  }
0x70: {  	v38 =	vld [tilespmem:s14+$0x5080];
	v3 =	vmax.f32 v34, v3;
	v10 =	vmin.f32 v10, v5;
	v5 =	vmax.f32 v35, v5  }
0x71: {  	v39 =	vld [tilespmem:s14+$0x7080];
	v12 =	vsel vm15, v14, v12;
	v14 =	vsel vm15, $0x8, v14;
	v8 =	vsel vm5, v13, v8  }
0x72: {  	v13 =	vsel vm5, $0x8, v13;
	v9 =	vsel vm6, $0x8, v9;
	v11 =	vsel vm8, $0x8, v11  }
0x73: {  	vm10 =	vgt.f32 v36, v7;
	vm11 =	vgt.f32 v36, v1;
	v7 =	vmax.f32 v36, v7  }
0x74: {  	vm12 =	vgt.f32 v37, v4;
	vm13 =	vgt.f32 v37, v2;
	v4 =	vmax.f32 v37, v4  }
0x75: {  	vm14 =	vgt.f32 v38, v6;
	vm15 =	vgt.f32 v38, v3;
	v6 =	vmax.f32 v38, v6  }
0x76: {  	vm4 =	vgt.f32 v39, v10;
	vm5 =	vgt.f32 v39, v5;
	v10 =	vmax.f32 v39, v10  }
0x77: {  	v9 =	vsel vm7, v16, v9;
	v16 =	vsel vm7, $0x8, v16;
	v11 =	vsel vm9, v18, v11  }
0x78: {  	v40 =	vld [tilespmem:s14+$0x1100];
	v18 =	vsel vm9, $0x8, v18;
	v12 =	vsel vm10, $0x9, v12;
	v7 =	vmin.f32 v7, v1  }
0x79: {  	v41 =	vld [tilespmem:s14+$0x3100];
	v1 =	vmax.f32 v36, v1;
	v8 =	vsel vm12, $0x9, v8;
	v4 =	vmin.f32 v4, v2  }
0x7a: {  	v42 =	vld [tilespmem:s14+$0x5100];
	v2 =	vmax.f32 v37, v2;
	v6 =	vmin.f32 v6, v3;
	v3 =	vmax.f32 v38, v3  }
0x7b: {  	v43 =	vld [tilespmem:s14+$0x7100];
	v10 =	vmin.f32 v10, v5;
	v5 =	vmax.f32 v39, v5;
	v12 =	vsel vm11, v14, v12  }
0x7c: {  	v14 =	vsel vm11, $0x9, v14;
	v8 =	vsel vm13, v13, v8;
	v13 =	vsel vm13, $0x9, v13  }
0x7d: {  	v9 =	vsel vm14, $0x9, v9;
	v11 =	vsel vm4, $0x9, v11;
	vm6 =	vgt.f32 v40, v7  }
0x7e: {  	vm7 =	vgt.f32 v40, v1;
	v7 =	vmax.f32 v40, v7;
	vm8 =	vgt.f32 v41, v4  }
0x7f: {  	vm9 =	vgt.f32 v41, v2;
	v4 =	vmax.f32 v41, v4;
	vm10 =	vgt.f32 v42, v6  }
0x80: {  	vm11 =	vgt.f32 v42, v3;
	v6 =	vmax.f32 v42, v6;
	vm12 =	vgt.f32 v43, v10  }
0x81: {  	vm13 =	vgt.f32 v43, v5;
	v10 =	vmax.f32 v43, v10;
	v9 =	vsel vm15, v16, v9  }
0x82: {  	v16 =	vsel vm15, $0x9, v16;
	v11 =	vsel vm5, v18, v11;
	v18 =	vsel vm5, $0x9, v18  }
0x83: {  	v44 =	vld [tilespmem:s14+$0x1180];
	v12 =	vsel vm6, $0xA, v12;
	v7 =	vmin.f32 v7, v1;
	v8 =	vsel vm8, $0xA, v8  }
0x84: {  	v45 =	vld [tilespmem:s14+$0x3180];
	v1 =	vmax.f32 v40, v1;
	v4 =	vmin.f32 v4, v2;
	v2 =	vmax.f32 v41, v2  }
0x85: {  	v46 =	vld [tilespmem:s14+$0x5180];
	v6 =	vmin.f32 v6, v3;
	v3 =	vmax.f32 v42, v3;
	v10 =	vmin.f32 v10, v5  }
0x86: {  	v47 =	vld [tilespmem:s14+$0x7180];
	v5 =	vmax.f32 v43, v5;
	v12 =	vsel vm7, v14, v12;
	v14 =	vsel vm7, $0xA, v14  }
0x87: {  	v8 =	vsel vm9, v13, v8;
	v13 =	vsel vm9, $0xA, v13;
	v9 =	vsel vm10, $0xA, v9  }
0x88: {  	v11 =	vsel vm12, $0xA, v11;
	vm14 =	vgt.f32 v44, v7;
	vm15 =	vgt.f32 v44, v1  }
0x89: {  	v7 =	vmax.f32 v44, v7;
	vm4 =	vgt.f32 v45, v4;
	vm5 =	vgt.f32 v45, v2  }
0x8a: {  	v4 =	vmax.f32 v45, v4;
	vm6 =	vgt.f32 v46, v6;
	vm7 =	vgt.f32 v46, v3  }
0x8b: {  	v6 =	vmax.f32 v46, v6;
	vm8 =	vgt.f32 v47, v10;
	vm9 =	vgt.f32 v47, v5  }
0x8c: {  	v10 =	vmax.f32 v47, v10;
	v9 =	vsel vm11, v16, v9;
	v16 =	vsel vm11, $0xA, v16  }
0x8d: {  	v11 =	vsel vm13, v18, v11;
	v18 =	vsel vm13, $0xA, v18;
	v12 =	vsel vm14, $0xB, v12  }
0x8e: {  	v48 =	vld [tilespmem:s14+$0x1200];
	v7 =	vmin.f32 v7, v1;
	v8 =	vsel vm4, $0xB, v8;
	v1 =	vmax.f32 v44, v1  }
0x8f: {  	v49 =	vld [tilespmem:s14+$0x3200];
	v4 =	vmin.f32 v4, v2;
	v2 =	vmax.f32 v45, v2;
	v6 =	vmin.f32 v6, v3  }
0x90: {  	v50 =	vld [tilespmem:s14+$0x5200];
	v3 =	vmax.f32 v46, v3;
	v10 =	vmin.f32 v10, v5;
	v5 =	vmax.f32 v47, v5  }
0x91: {  	v51 =	vld [tilespmem:s14+$0x7200];
	v12 =	vsel vm15, v14, v12;
	v14 =	vsel vm15, $0xB, v14;
	v8 =	vsel vm5, v13, v8  }
0x92: {  	v13 =	vsel vm5, $0xB, v13;
	v9 =	vsel vm6, $0xB, v9;
	v11 =	vsel vm8, $0xB, v11  }
0x93: {  	vm10 =	vgt.f32 v48, v7;
	vm11 =	vgt.f32 v48, v1;
	v7 =	vmax.f32 v48, v7  }
0x94: {  	vm12 =	vgt.f32 v49, v4;
	vm13 =	vgt.f32 v49, v2;
	v4 =	vmax.f32 v49, v4  }
0x95: {  	vm14 =	vgt.f32 v50, v6;
	vm15 =	vgt.f32 v50, v3;
	v6 =	vmax.f32 v50, v6  }
0x96: {  	v54 =	vmax.f32 v51, v10;
	vm4 =	vgt.f32 v51, v5;
	vm3 =	vgt.f32 v51, v10  }
0x97: {  	v21 =	vld [tilespmem:s14+$0x3280];
	v9 =	vsel vm7, v16, v9;
	v16 =	vsel vm7, $0xB, v16;
	v11 =	vsel vm9, v18, v11  }
0x98: {  	v52 =	vld [tilespmem:s14+$0x1280];
	v18 =	vsel vm9, $0xB, v18;
	v12 =	vsel vm10, $0xC, v12;
	v7 =	vmin.f32 v7, v1  }
0x99: {  	v22 =	vld [tilespmem:s14+$0x7280];
	v1 =	vmax.f32 v48, v1;
	v8 =	vsel vm12, $0xC, v8;
	v4 =	vmin.f32 v4, v2  }
0x9a: {  	v53 =	vld [tilespmem:s14+$0x5280];
	v2 =	vmax.f32 v49, v2;
	v6 =	vmin.f32 v6, v3;
	v3 =	vmax.f32 v50, v3  }
0x9b: {  	v55 =	vmin.f32 v54, v5;
	v5 =	vmax.f32 v51, v5;
	v12 =	vsel vm11, v14, v12  }
0x9c: {  	v14 =	vsel vm11, $0xC, v14;
	v8 =	vsel vm13, v13, v8;
	v13 =	vsel vm13, $0xC, v13  }
0x9d: {  	v23 =	vld [tilespmem:s14+$0x3300];
	v9 =	vsel vm14, $0xC, v9;
	vm5 =	vgt.f32 v52, v1;
	v57 =	vmax.f32 v52, v7  }
0x9e: {  	v59 =	vld [tilespmem:s14+$0x5300];
	vm7 =	vgt.f32 v52, v7;
	vm6 =	vgt.f32 v21, v2;
	v60 =	vmax.f32 v21, v4  }
0x9f: {  	v25 =	vld [tilespmem:s14+$0x7300];
	v24 =	vmax.f32 v53, v6;
	v27 =	vmax.f32 v53, v3;
	v28 =	vmax.f32 v22, v55  }
0xa0: {  	v56 =	vld [tilespmem:s14+$0x1300];
	v30 =	vmax.f32 v22, v5;
	v11 =	vsel vm3, $0xC, v11;
	vm9 =	vgt.f32 v21, v4  }
0xa1: {  	v35 =	vld [tilespmem:s14+$0x5380];
	vm10 =	vgt.f32 v53, v3;
	vm11 =	vgt.f32 v53, v6;
	vm12 =	vgt.f32 v22, v5  }
0xa2: {  	v37 =	vld [tilespmem:s14+$0x7380];
	v58 =	vmin.f32 v57, v1;
	v1 =	vmax.f32 v52, v1;
	v20 =	vmin.f32 v60, v2  }
0xa3: {  	v26 =	vld [tilespmem:s14+$0x1380];
	v2 =	vmax.f32 v21, v2;
	v24 =	vmin.f32 v24, v3;
	v28 =	vmin.f32 v28, v5  }
0xa4: {  	v31 =	vld [tilespmem:s14+$0x3380];
	v38 =	vmax.f32 v59, v27;
	v41 =	vmax.f32 v25, v30;
	v11 =	vsel vm4, v18, v11  }
0xa5: {  	v18 =	vsel vm4, $0xC, v18;
	v29 =	vmax.f32 v56, v58;
	v32 =	vmax.f32 v56, v1  }
0xa6: {  	v33 =	vmax.f32 v23, v20;
	v34 =	vmax.f32 v59, v24;
	v36 =	vmax.f32 v23, v2  }
0xa7: {  	v39 =	vmax.f32 v25, v28;
	v46 =	vmax.f32 v35, v38;
	v61 =	vmax.f32 v37, v41  }
0xa8: {  	v29 =	vmin.f32 v29, v1;
	v33 =	vmin.f32 v33, v2;
	v34 =	vmin.f32 v34, v27  }
0xa9: {  	v39 =	vmin.f32 v39, v30;
	v42 =	vmax.f32 v26, v32;
	v44 =	vmax.f32 v31, v36  }
0xaa: {  	vm1 =	vge.f32 v46, v61;
	v40 =	vmax.f32 v26, v29;
	v43 =	vmax.f32 v31, v33  }
0xab: {  	v45 =	vmax.f32 v35, v34;
	vm0 =	vge.f32 v42, v44;
	v47 =	vmax.f32 v37, v39  }
0xac: {  	v62 =	vsel vm1, v46, v61;
	v40 =	vmin.f32 v40, v32;
	v43 =	vmin.f32 v43, v36  }
0xad: {  	v45 =	vmin.f32 v45, v38;
	v47 =	vmin.f32 v47, v41;
	v40 =	vsel vm0, v40, v42  }
0xae: {  	v43 =	vsel vm0, v44, v43;
	v45 =	vsel vm1, v45, v46;
	v47 =	vsel vm1, v61, v47  }
0xaf: {  	v42 =	vsel vm0, v42, v44;
	vm3 =	vge.f32 v40, v43;
	vm2 =	vge.f32 v45, v47  }
0xb0: {  	vm4 =	vge.f32 v42, v62;
	v40 =	vsel vm3, v40, v43;
	v63 =	vsel vm2, v45, v47  }
0xb1: {  	v12 =	vsel vm7, $0xD, v12;
	v40 =	vsel vm4, v40, v42;
	v44 =	vsel vm4, v62, v63  }
0xb2: {  	v12 =	vsel vm5, v14, v12;
	v14 =	vsel vm5, $0xD, v14;
	vm5 =	vge.f32 v40, v44  }
0xb3: {  	vm13 =	vgt.f32 v22, v55;
	v48 =	vsel vm4, v42, v62;
	v49 =	vsel vm5, v40, v44  }
0xb4: {  	v9 =	vsel vm15, v16, v9;
	v8 =	vsel vm9, $0xD, v8;
	v3 =	vsub.f32 v49, v48  }
0xb5: {  	v16 =	vsel vm15, $0xC, v16;
	v51 =	vsel vm6, $0xD, v13;
	v50 =	vsel vm6, v13, v8  }
0xb6: {  	v6 =	vsel vm11, $0xD, v9;
	v53 =	vsel vm10, $0xD, v16;
	v3 =	vmul.f32 $1.442695020e+00, v3  }
0xb7: {  	v54 =	vsel vm13, $0xD, v11;
	vm14 =	vgt.f32 v56, v58;
	vm15 =	vgt.f32 v56, v1  }
0xb8: {  	v55 =	vsel vm12, $0xD, v18;
	vm9 =	vgt.f32 v23, v20;
	(erf) = vpow2.f32 v3  }
0xb9: {  	vm11 =	vgt.f32 v59, v24;
	vm13 =	vgt.f32 v25, v28;
	v52 =	vsel vm10, v16, v6  }
0xba: {  	v1 =	vsel vm12, v18, v54;
	v56 =	vsel vm15, $0xE, v14;
	vm10 =	vgt.f32 v23, v2  }
0xbb: {  	v2 =	vsel vm9, $0xE, v50;
	vm12 =	vgt.f32 v59, v27;
	vm9 =	vgt.f32 v26, v32  }
0xbc: {  	v2 =	vsel vm10, v51, v2;
	v57 =	vsel vm10, $0xE, v51;
	v5 =	vsel vm11, $0xE, v52  }
0xbd: {  	v1 =	vsel vm13, $0xE, v1;
	v6 =	vsel vm12, $0xE, v53;
	v58 =	vsel vm9, $0xF, v56  }
0xbe: {  	vm10 =	vgt.f32 v31, v33;
	vm11 =	vgt.f32 v35, v34;
	v5 =	vsel vm12, v53, v5  }
0xbf: {  	v2 =	vsel vm10, $0xF, v2;
	vm12 =	vgt.f32 v31, v36;
	v4 =	vadd.s32 $0x10, v57  }
0xc0: {  	vm13 =	vgt.f32 v37, v39;
	v2 =	vsel vm12, v57, v2;
	v4 =	vsel vm12, $0x1F, v4  }
0xc1: {  	v5 =	vsel vm11, $0xF, v5;
	v2 =	vadd.s32 $0x10, v2;
	v61 =	vsel vm0, v58, v4;
	v59 =	vpop (erf)  }
0xc2: {  	v3 =	vsel vm14, $0xE, v12;
	vm14 =	vgt.f32 v25, v30;
	v60 =	vadd.f32 $1.000000000e+00, v59  }
0xc3: {  	v2 =	vsel vm0, v4, v2;
	v3 =	vsel vm15, v14, v3;
	v1 =	vsel vm14, v55, v1  }
0xc4: {  	vm15 =	vgt.f32 v26, v29;
	v7 =	vsel vm14, $0xE, v55;
	(erf) = vrcp.f32 v60  }
0xc5: {  	vm14 =	vgt.f32 v35, v38;
	v3 =	vsel vm15, $0xF, v3;
	v1 =	vsel vm13, $0xF, v1  }
0xc6: {  	v5 =	vsel vm14, v6, v5;
	vm15 =	vgt.f32 v37, v41;
	v6 =	vadd.s32 $0x20, v6  }
0xc7: {  	v3 =	vsel vm9, v56, v3;
	v6 =	vsel vm14, $0x2F, v6;
	v1 =	vsel vm15, v7, v1  }
0xc8: {  	v7 =	vadd.s32 $0x30, v7;
	v5 =	vadd.s32 $0x20, v5;
	v3 =	vsel vm0, v3, v58  }
0xc9: {  	v7 =	vsel vm15, $0x3F, v7;
	v1 =	vadd.s32 $0x30, v1;
	v2 =	vsel vm3, v3, v2  }
0xca: {  	s31 =	sshll.u32 s12, $0x5;
	v62 =	vsel vm1, v5, v6;
	v1 =	vsel vm1, v7, v1;
	v2 =	vsel vm4, v2, v61  }
0xcb: {  	p0 =	sne.s32 s12, $0x1F;
	s14 =	sand.u32 $0xFFFFFF00, s31;
	v3 =	vsel vm1, v6, v7;
	v1 =	vsel vm2, v62, v1  }
.Ltmp0:
0xcc: {  	s13 =	sor.u32 s13, s14;
	v63 =	vsel vm4, v61, v3;
	v1 =	vsel vm4, v3, v1;
	(pc) =	sbr.rel @p0 .LBB2_2-.Ltmp0, $4  }
0xcd: {  	[tilespmem:s13+$0x8000] =	vst v63;
	v1 =	vsel vm5, v2, v1;
	v2 =	vpop (erf)  }
0xce: {  	[tilespmem:s13+$0x8080] =	vst v1;
	v1 =	vmul.f32 v2, v59  }
0xcf: {  	[tilespmem:s13+$0x8400] =	vst v2  }
0xd0: {  	s11 =	sadd.s32 $0x10, s11;
	s12 =	sadd.s32 $0x1, s12;
	[tilespmem:s13+$0x8480] =	vst v1  }
0xd1: {  	[hbm4b:s4+s2] =	stream.linear.scatter [tilespmem:s8], [sflag:$0x1], $0x400, $0x38;
	[tilespmem:$0x8800] =	vst v63  }
0xd2: {  	s10 =	sadd.s32 $0x1, s10;
	_ =	swait.ge [sflag:s7], $0x400  }
0xd3: {  	p0 =	sne.s32 s10, s6;
	[sflag:s7] =	ssyncset.done $0x0  }
.Ltmp1:
0xd4: {  	[sflag:s7] =	ssyncadd.s32 $0xFFFFFC00;
	(pc) =	sbr.rel @p0 .LBB2_1-.Ltmp1, $4  }
0xd5: {  	[hbm4b:s5+s2] =	stream.linear.scatter [tilespmem:s9], [sflag:$0x1], $0x400, $0x38;
	[tilespmem:$0x8800] =	vst v63  }
0xd6: {  	_ =	swait.ge [sflag:s7], $0x400  }
0xd7: {  	[sflag:s7] =	ssyncset.done $0x0  }
0xd8: {  	[sflag:s7] =	ssyncadd.s32 $0xFFFFFC00  }
0xd9: {  	_ =	sfence.sel $0x180000  }
0xda: {  	[bflag:$0x0] =	sbarrier.arrive $0xFFFF  }
0xdb: {  	p0 =	sne.s32 s1, $0x0;
	_ =	strace $0x90000047  }
0xdc: {  	s0 =	sadd.s32 @!p0 $0x100000, s0;
	[bflag:$0x2] =	sbarrier.arrive $0xFFFF  }
0xdd: {  	[sflag:s0] =	ssyncadd.tile.s32 @!p0 $0x1;
	_ =	shalt  }
.Lfunc_end2:
_tile_overlayer_lowered:
.L_overlay_start_2:
0xde: {  	(tag) =	ssettag $0x2  }
0xdf: {  	s0 =	rddreg [dreg:$0x0];
	s2 =	stileid.u32  }
0xe0: {  	s1 =	rddreg [dreg:$0x1];
	p0 =	sne.s32 s2, $0x0  }
0xe1: {  	s3 =	rddreg [dreg:$0x2];
	[bflag:$0x3] =	sbarrier.arrive $0xFFFF;
	s2 =	simm.s32 @!p0 $0x1C01  }
0xe2: {  	[timem:s3], [sflag:s2] =	dma.local @!p0 [hbm:s0], s1  }
0xe3: {  	s0 =	simm.s32 @!p0 $0x1  }
0xe4: {  	_ =	swait.ge @!p0 [sflag:s0], s1  }
0xe5: {  	s1 =	ssub.s32 @!p0 $0x0, s1;
	[sflag:s0] =	ssyncset.done @!p0 $0x0  }
0xe6: {  	[sflag:s0] =	ssyncadd.s32 @!p0 s1  }
0xe7: {  	[bflag:$0x3] =	sbarrier.arrive $0xFFFF  }
0xe8: {  	_ =	shalt  }

</sc_bundles>
